<compile_context>
chip_gen: v7x
topology: tpu7x:2x2x1
jax: 0.10.2.dev20260603
libtpu: 0.0.44.dev20260713+nightly
codegen_flags: <defaults>
</compile_context>

<pallas_src>
import functools

import jax
import jax.numpy as jnp
from jax import lax
from jax.experimental import pallas as pl
from jax.experimental.pallas import tpu as pltpu
from jax.experimental.pallas import tpu_sc as plsc

_S = 20000
_K = 16
_W = 64
_BLK = 128
_NB = 160
_NG = _NB // 16
_SP = _NB * _BLK
_GW = 16 * _BLK

_NEG = float("-inf")
_BIG = 1 << 30

_mesh = plsc.VectorSubcoreMesh(
    core_axis_name="c", subcore_axis_name="s", num_cores=1)


@functools.partial(
    pl.kernel,
    mesh=_mesh,
    out_type=jax.ShapeDtypeStruct((_K,), jnp.int32),
    compiler_params=pltpu.CompilerParams(
        use_tc_tiling_on_sc=False, needs_layout_passes=False),
    scratch_types=[
        pltpu.VMEM((_SP,), jnp.float32),
        pltpu.VMEM((16,), jnp.float32),
        pltpu.VMEM((_NB,), jnp.float32),
        pltpu.VMEM((_K,), jnp.int32),
        pltpu.VMEM_SHARED((_NB,), jnp.float32),
        pltpu.SemaphoreType.DMA,
    ],
)
def _topk_sc(scores_hbm, out_hbm, s_v, stage_v, bm_v, sel_v, sh_v, dsem):
    cid = lax.axis_index("c")
    sid = lax.axis_index("s")
    on0 = cid == 0
    lane = lax.iota(jnp.int32, 16)
    neg = jnp.full((16,), _NEG, jnp.float32)

    @pl.when(on0 & (sid >= 1) & (sid <= _NG))
    def _p1():
        g = sid - 1
        base = g * _GW
        pltpu.sync_copy(scores_hbm.at[pl.ds(base, _GW)],
                        s_v.at[pl.ds(base, _GW)])

        def p1_body(t4, acc):
            for d in range(4):
                acc = jnp.maximum(acc, plsc.load_gather(
                    s_v, [base + lane * _BLK + (t4 * 4 + d)]))
            return acc

        stage_v[...] = lax.fori_loop(0, _BLK // 4, p1_body, neg)
        pltpu.sync_copy(stage_v, sh_v.at[pl.ds(g * 16, 16)])

    @pl.when(on0 & (sid == 0))
    def _stage():
        pltpu.async_copy(scores_hbm, s_v, dsem)

    plsc.subcore_barrier()

    @pl.when(on0 & (sid == 0))
    def _p2():
        pltpu.sync_copy(sh_v, bm_v)
        bms0 = tuple(bm_v[pl.ds(g * 16, 16)] for g in range(_NG))
        pltpu.make_async_copy(scores_hbm, s_v, dsem).wait()

        def p2_body(i, carry):
            sel = carry[0]
            bms = carry[1:]
            m = bms[0]
            for g in range(1, _NG):
                m = jnp.maximum(m, bms[g])
            mv = jnp.max(m)
            cand = jnp.where(bms[0] == mv, lane, _BIG)
            for g in range(1, _NG):
                cand = jnp.minimum(
                    cand, jnp.where(bms[g] == mv, g * 16 + lane, _BIG))
            blk = jnp.min(cand)
            p0 = blk * _BLK
            candp = jnp.full((16,), _BIG, jnp.int32)
            for j in range(_BLK // 16):
                off = p0 + j * 16
                v = s_v[pl.ds(off, 16)]
                candp = jnp.minimum(candp, jnp.where(v == mv, off + lane, _BIG))
            pos = jnp.min(candp)
            sel = jnp.where(lane == i, pos, sel)
            lo = pos - _W
            hi = pos + _W
            b0 = jnp.maximum(lo, 0) // _BLK
            newms = []
            for bb in range(2):
                acc = neg
                for j in range(_BLK // 16):
                    off = (b0 + bb) * _BLK + j * 16
                    idxv = off + lane
                    v = s_v[pl.ds(off, 16)]
                    v = jnp.where((idxv >= lo) & (idxv <= hi), _NEG, v)
                    s_v[pl.ds(off, 16)] = v
                    acc = jnp.maximum(acc, v)
                newms.append(jnp.max(acc))
            out = []
            for g in range(_NG):
                bid = g * 16 + lane
                u = jnp.where(bid == b0, newms[0], bms[g])
                u = jnp.where(bid == b0 + 1, newms[1], u)
                out.append(u)
            return (sel,) + tuple(out)

        carry = lax.fori_loop(0, _K, p2_body,
                              (jnp.zeros((16,), jnp.int32),) + bms0)
        sel_v[...] = carry[0]
        pltpu.sync_copy(sel_v, out_hbm)


def kernel(scores, mask):
    s = jnp.where(mask, scores, _NEG)
    pad = jnp.full((_SP - _S,), _NEG, jnp.float32)
    return _topk_sc(jnp.concatenate([s, pad]))

# --- scband reference (transcript-rebuilt; emitter-appended) ---
"""Pipeline reference for scband-top-ksegments-62715112456633 (READ-ONLY COPY).

The authoritative reference and input builder live on the scoring server;
editing this copy changes nothing except your own understanding.
"""

import jax, jax.numpy as jnp
import numpy as np

NUM_SEGMENTS = 16
MIN_DISTANCE = 64
SEQ_LEN = 20000


def setup_inputs(seed: int = 0) -> dict:
    key = jax.random.key(seed)
    k1, k2 = jax.random.split(key)
    scores = jax.random.normal(k1, (SEQ_LEN,), dtype=jnp.float32)
    mask = jnp.ones((SEQ_LEN,), dtype=bool)
    return {"scores": scores, "mask": mask}


def reference(scores, mask):
    seq_len = scores.shape[0]
    neg_inf = jnp.float32(-jnp.inf)
    s = jnp.where(mask.astype(bool), scores, neg_inf)
    positions = jnp.arange(seq_len)

    def body(i, carry):
        s, selected = carry
        max_idx = jnp.argmax(s)
        selected = selected.at[i].set(max_idx.astype(jnp.int32))
        start = jnp.maximum(0, max_idx - MIN_DISTANCE)
        end = jnp.minimum(seq_len, max_idx + MIN_DISTANCE + 1)
        window = (positions >= start) & (positions < end)
        s = jnp.where(window, neg_inf, s)
        return (s, selected)

    selected0 = jnp.zeros((NUM_SEGMENTS,), dtype=jnp.int32)
    _, selected = jax.lax.fori_loop(0, NUM_SEGMENTS, body, (s, selected0))
    return selected

if __name__ == "__main__":
    import jax
    _d = setup_inputs()
    print(jax.jit(kernel)(*tuple(_d.values())))

</pallas_src>

<mosaic_0001>
#map = affine_map<(d0, d1) -> (0)>
module attributes {stable_mosaic.version = 14 : i64} {
  func.func @_topk_sc(%arg0: i32, %arg1: i32, %arg2: memref<20480xf32, #tpu.memory_space<hbm>>, %arg3: memref<16xi32, #tpu.memory_space<hbm>>, %arg4: memref<20480xf32, #tpu.memory_space<vmem>>, %arg5: memref<16xf32, #tpu.memory_space<vmem>>, %arg6: memref<160xf32, #tpu.memory_space<vmem>>, %arg7: memref<16xi32, #tpu.memory_space<vmem>>, %arg8: memref<160xf32, #tpu.memory_space<vmem_shared>>, %arg9: memref<!tpu.dma_semaphore, #tpu.memory_space<semaphore_mem>>) attributes {dimension_semantics = [#tpu.dimension_semantics<core_parallel>, #tpu.dimension_semantics<subcore_parallel>], iteration_bounds = array<i64: 1, 16>, scalar_prefetch = 0 : i64, scratch_operands = 6 : i64, tpu.core_type = #tpu.core_type<sc_vector_subcore>, window_params = [{transform_indices = #map}, {transform_indices = #map}]} {
    %eq3A = arith.constant 0 : i32
    %eq3A_0 = arith.cmpi eq, %arg0, %eq3A : i32
    %iota3A = tpu.iota {dimensions = array<i32: 0>} : vector<16xi32>
    %broadcast_in_dim3A = arith.constant 0xFF800000 : f32
    %broadcast_in_dim3A_1 = vector.broadcast %broadcast_in_dim3A : f32 to vector<16xf32>
    %ge3A = arith.constant 1 : i32
    %ge3A_2 = arith.cmpi sge, %arg1, %ge3A : i32
    %and3A = arith.andi %eq3A_0, %ge3A_2 : i1
    %le3A = arith.constant 10 : i32
    %le3A_3 = arith.cmpi sle, %arg1, %le3A : i32
    %and3A_4 = arith.andi %and3A, %le3A_3 : i1
    %convert_element_type3A = arith.extui %and3A_4 : i1 to i32
    %cond3A = arith.constant 0 : i32
    %cond3A_5 = arith.cmpi ne, %convert_element_type3A, %cond3A : i32
    scf.if %cond3A_5 {
      %sub3A = arith.constant 1 : i32
      %sub3A_18 = arith.subi %arg1, %sub3A : i32
      %mul3A = arith.constant 2048 : i32
      %mul3A_19 = arith.muli %sub3A_18, %mul3A : i32
      "tpu.region"() ({
        %run_scoped3A = tpu.sem_alloc : memref<!tpu.dma_semaphore, #tpu.memory_space<semaphore_mem>>
        %dma_start3A = tpu.memref_slice %arg4[%mul3A_19] : memref<20480xf32, #tpu.memory_space<vmem>> -> memref<2048xf32, #tpu.memory_space<vmem>>
        %dma_start3A_28 = tpu.memref_slice %arg2[%mul3A_19] : memref<20480xf32, #tpu.memory_space<hbm>> -> memref<2048xf32, #tpu.memory_space<hbm>>
        %dma_start3A_29 = tpu.memref_slice %arg4[%mul3A_19] : memref<20480xf32, #tpu.memory_space<vmem>> -> memref<2048xf32, #tpu.memory_space<vmem>>
        %dma_start3A_30 = tpu.memref_slice %arg2[%mul3A_19] : memref<20480xf32, #tpu.memory_space<hbm>> -> memref<2048xf32, #tpu.memory_space<hbm>>
        tpu.enqueue_dma source(%dma_start3A_30 : memref<2048xf32, #tpu.memory_space<hbm>>) target(%dma_start3A_29 : memref<2048xf32, #tpu.memory_space<vmem>>) target_semaphore(%run_scoped3A : memref<!tpu.dma_semaphore, #tpu.memory_space<semaphore_mem>>)
        %dma_wait3A = tpu.memref_slice %arg4[%mul3A_19] : memref<20480xf32, #tpu.memory_space<vmem>> -> memref<2048xf32, #tpu.memory_space<vmem>>
        %dma_wait3A_31 = tpu.memref_slice %arg2[%mul3A_19] : memref<20480xf32, #tpu.memory_space<hbm>> -> memref<2048xf32, #tpu.memory_space<hbm>>
        %dma_wait3A_32 = tpu.memref_slice %arg4[%mul3A_19] : memref<20480xf32, #tpu.memory_space<vmem>> -> memref<2048xf32, #tpu.memory_space<vmem>>
        %dma_wait3A_33 = tpu.memref_slice %arg2[%mul3A_19] : memref<20480xf32, #tpu.memory_space<hbm>> -> memref<2048xf32, #tpu.memory_space<hbm>>
        tpu.wait_dma2 semaphore(%run_scoped3A : memref<!tpu.dma_semaphore, #tpu.memory_space<semaphore_mem>>) src(%dma_wait3A_33 : memref<2048xf32, #tpu.memory_space<hbm>>) dst(%dma_wait3A_32 : memref<2048xf32, #tpu.memory_space<vmem>>)
        tpu.yield
      }) : () -> ()
      %scan3A = arith.constant 0 : i32
      %scan3A_20 = arith.constant 32 : i32
      %scan3A_21 = arith.addi %scan3A, %scan3A_20 : i32
      %scan3A_22 = arith.constant 1 : i32
      %scan3A_23 = scf.for %scan3A_28 = %scan3A to %scan3A_21 step %scan3A_22 iter_args(%scan3A_29 = %broadcast_in_dim3A_1) -> (vector<16xf32>)  : i32 {
        %mul3A_30 = arith.constant 128 : i32
        %mul3A_31 = vector.broadcast %mul3A_30 : i32 to vector<16xi32>
        %mul3A_32 = arith.muli %iota3A, %mul3A_31 : vector<16xi32>
        %add3A = vector.broadcast %mul3A_19 : i32 to vector<16xi32>
        %add3A_33 = arith.addi %add3A, %mul3A_32 : vector<16xi32>
        %mul3A_34 = arith.constant 4 : i32
        %mul3A_35 = arith.muli %scan3A_28, %mul3A_34 : i32
        %add3A_36 = arith.constant 0 : i32
        %add3A_37 = arith.addi %mul3A_35, %add3A_36 : i32
        %add3A_38 = vector.broadcast %add3A_37 : i32 to vector<16xi32>
        %add3A_39 = arith.addi %add3A_33, %add3A_38 : vector<16xi32>
        %gather3A = tpu.vector_load_idx %arg4[%add3A_39] : memref<20480xf32, #tpu.memory_space<vmem>>[vector<16xi32>], vector<16xf32>,
        %max3A = arith.maximumf %scan3A_29, %gather3A : vector<16xf32>
        %mul3A_40 = arith.constant 128 : i32
        %mul3A_41 = vector.broadcast %mul3A_40 : i32 to vector<16xi32>
        %mul3A_42 = arith.muli %iota3A, %mul3A_41 : vector<16xi32>
        %add3A_43 = vector.broadcast %mul3A_19 : i32 to vector<16xi32>
        %add3A_44 = arith.addi %add3A_43, %mul3A_42 : vector<16xi32>
        %mul3A_45 = arith.constant 4 : i32
        %mul3A_46 = arith.muli %scan3A_28, %mul3A_45 : i32
        %add3A_47 = arith.constant 1 : i32
        %add3A_48 = arith.addi %mul3A_46, %add3A_47 : i32
        %add3A_49 = vector.broadcast %add3A_48 : i32 to vector<16xi32>
        %add3A_50 = arith.addi %add3A_44, %add3A_49 : vector<16xi32>
        %gather3A_51 = tpu.vector_load_idx %arg4[%add3A_50] : memref<20480xf32, #tpu.memory_space<vmem>>[vector<16xi32>], vector<16xf32>,
        %max3A_52 = arith.maximumf %max3A, %gather3A_51 : vector<16xf32>
        %mul3A_53 = arith.constant 128 : i32
        %mul3A_54 = vector.broadcast %mul3A_53 : i32 to vector<16xi32>
        %mul3A_55 = arith.muli %iota3A, %mul3A_54 : vector<16xi32>
        %add3A_56 = vector.broadcast %mul3A_19 : i32 to vector<16xi32>
        %add3A_57 = arith.addi %add3A_56, %mul3A_55 : vector<16xi32>
        %mul3A_58 = arith.constant 4 : i32
        %mul3A_59 = arith.muli %scan3A_28, %mul3A_58 : i32
        %add3A_60 = arith.constant 2 : i32
        %add3A_61 = arith.addi %mul3A_59, %add3A_60 : i32
        %add3A_62 = vector.broadcast %add3A_61 : i32 to vector<16xi32>
        %add3A_63 = arith.addi %add3A_57, %add3A_62 : vector<16xi32>
        %gather3A_64 = tpu.vector_load_idx %arg4[%add3A_63] : memref<20480xf32, #tpu.memory_space<vmem>>[vector<16xi32>], vector<16xf32>,
        %max3A_65 = arith.maximumf %max3A_52, %gather3A_64 : vector<16xf32>
        %mul3A_66 = arith.constant 128 : i32
        %mul3A_67 = vector.broadcast %mul3A_66 : i32 to vector<16xi32>
        %mul3A_68 = arith.muli %iota3A, %mul3A_67 : vector<16xi32>
        %add3A_69 = vector.broadcast %mul3A_19 : i32 to vector<16xi32>
        %add3A_70 = arith.addi %add3A_69, %mul3A_68 : vector<16xi32>
        %mul3A_71 = arith.constant 4 : i32
        %mul3A_72 = arith.muli %scan3A_28, %mul3A_71 : i32
        %add3A_73 = arith.constant 3 : i32
        %add3A_74 = arith.addi %mul3A_72, %add3A_73 : i32
        %add3A_75 = vector.broadcast %add3A_74 : i32 to vector<16xi32>
        %add3A_76 = arith.addi %add3A_70, %add3A_75 : vector<16xi32>
        %gather3A_77 = tpu.vector_load_idx %arg4[%add3A_76] : memref<20480xf32, #tpu.memory_space<vmem>>[vector<16xi32>], vector<16xf32>,
        %max3A_78 = arith.maximumf %max3A_65, %gather3A_77 : vector<16xf32>
        scf.yield %max3A_78 : vector<16xf32>
      }
      %scan3A_24 = arith.constant 32 : i32
      %swap3A = arith.constant 0 : index
      %swap3A_25 = tpu.vector_load %arg5[%swap3A] {strides = array<i32>} : memref<16xf32, #tpu.memory_space<vmem>>, vector<16xf32>,
      tpu.vector_store %arg5[%swap3A], %scan3A_23 {strides = array<i32>} : memref<16xf32, #tpu.memory_space<vmem>>, vector<16xf32>,
      %mul3A_26 = arith.constant 16 : i32
      %mul3A_27 = arith.muli %sub3A_18, %mul3A_26 : i32
      "tpu.region"() ({
        %run_scoped3A = tpu.sem_alloc : memref<!tpu.dma_semaphore, #tpu.memory_space<semaphore_mem>>
        %dma_start3A = tpu.memref_slice %arg8[%mul3A_27] : memref<160xf32, #tpu.memory_space<vmem_shared>> -> memref<16xf32, #tpu.memory_space<vmem_shared>>
        %dma_start3A_28 = tpu.memref_slice %arg8[%mul3A_27] : memref<160xf32, #tpu.memory_space<vmem_shared>> -> memref<16xf32, #tpu.memory_space<vmem_shared>>
        tpu.enqueue_dma source(%arg5 : memref<16xf32, #tpu.memory_space<vmem>>) target(%dma_start3A_28 : memref<16xf32, #tpu.memory_space<vmem_shared>>) target_semaphore(%run_scoped3A : memref<!tpu.dma_semaphore, #tpu.memory_space<semaphore_mem>>)
        %dma_wait3A = tpu.memref_slice %arg8[%mul3A_27] : memref<160xf32, #tpu.memory_space<vmem_shared>> -> memref<16xf32, #tpu.memory_space<vmem_shared>>
        %dma_wait3A_29 = tpu.memref_slice %arg8[%mul3A_27] : memref<160xf32, #tpu.memory_space<vmem_shared>> -> memref<16xf32, #tpu.memory_space<vmem_shared>>
        tpu.wait_dma2 semaphore(%run_scoped3A : memref<!tpu.dma_semaphore, #tpu.memory_space<semaphore_mem>>) src(%arg5 : memref<16xf32, #tpu.memory_space<vmem>>) dst(%dma_wait3A_29 : memref<16xf32, #tpu.memory_space<vmem_shared>>)
        tpu.yield
      }) : () -> ()
    } else {
    }
    %eq3A_6 = arith.constant 0 : i32
    %eq3A_7 = arith.cmpi eq, %arg1, %eq3A_6 : i32
    %and3A_8 = arith.andi %eq3A_0, %eq3A_7 : i1
    %convert_element_type3A_9 = arith.extui %and3A_8 : i1 to i32
    %cond3A_10 = arith.constant 0 : i32
    %cond3A_11 = arith.cmpi ne, %convert_element_type3A_9, %cond3A_10 : i32
    scf.if %cond3A_11 {
      tpu.enqueue_dma source(%arg2 : memref<20480xf32, #tpu.memory_space<hbm>>) target(%arg4 : memref<20480xf32, #tpu.memory_space<vmem>>) target_semaphore(%arg9 : memref<!tpu.dma_semaphore, #tpu.memory_space<semaphore_mem>>)
    } else {
    }
    %barrier3A = arith.constant 0 : index
    tpu.barrier barrier_id(%barrier3A)
    %eq3A_12 = arith.constant 0 : i32
    %eq3A_13 = arith.cmpi eq, %arg1, %eq3A_12 : i32
    %and3A_14 = arith.andi %eq3A_0, %eq3A_13 : i1
    %convert_element_type3A_15 = arith.extui %and3A_14 : i1 to i32
    %cond3A_16 = arith.constant 0 : i32
    %cond3A_17 = arith.cmpi ne, %convert_element_type3A_15, %cond3A_16 : i32
    scf.if %cond3A_17 {
      "tpu.region"() ({
        %run_scoped3A = tpu.sem_alloc : memref<!tpu.dma_semaphore, #tpu.memory_space<semaphore_mem>>
        tpu.enqueue_dma source(%arg8 : memref<160xf32, #tpu.memory_space<vmem_shared>>) target(%arg6 : memref<160xf32, #tpu.memory_space<vmem>>) target_semaphore(%run_scoped3A : memref<!tpu.dma_semaphore, #tpu.memory_space<semaphore_mem>>)
        tpu.wait_dma2 semaphore(%run_scoped3A : memref<!tpu.dma_semaphore, #tpu.memory_space<semaphore_mem>>) src(%arg8 : memref<160xf32, #tpu.memory_space<vmem_shared>>) dst(%arg6 : memref<160xf32, #tpu.memory_space<vmem>>)
        tpu.yield
      }) : () -> ()
      %get3A = arith.constant 0 : index
      %get3A_18 = tpu.vector_load %arg6[%get3A] {strides = array<i32>} : memref<160xf32, #tpu.memory_space<vmem>>, vector<16xf32>,
      %get3A_19 = arith.constant 16 : index
      %get3A_20 = tpu.vector_load %arg6[%get3A_19] {strides = array<i32>} : memref<160xf32, #tpu.memory_space<vmem>>, vector<16xf32>,
      %get3A_21 = arith.constant 32 : index
      %get3A_22 = tpu.vector_load %arg6[%get3A_21] {strides = array<i32>} : memref<160xf32, #tpu.memory_space<vmem>>, vector<16xf32>,
      %get3A_23 = arith.constant 48 : index
      %get3A_24 = tpu.vector_load %arg6[%get3A_23] {strides = array<i32>} : memref<160xf32, #tpu.memory_space<vmem>>, vector<16xf32>,
      %get3A_25 = arith.constant 64 : index
      %get3A_26 = tpu.vector_load %arg6[%get3A_25] {strides = array<i32>} : memref<160xf32, #tpu.memory_space<vmem>>, vector<16xf32>,
      %get3A_27 = arith.constant 80 : index
      %get3A_28 = tpu.vector_load %arg6[%get3A_27] {strides = array<i32>} : memref<160xf32, #tpu.memory_space<vmem>>, vector<16xf32>,
      %get3A_29 = arith.constant 96 : index
      %get3A_30 = tpu.vector_load %arg6[%get3A_29] {strides = array<i32>} : memref<160xf32, #tpu.memory_space<vmem>>, vector<16xf32>,
      %get3A_31 = arith.constant 112 : index
      %get3A_32 = tpu.vector_load %arg6[%get3A_31] {strides = array<i32>} : memref<160xf32, #tpu.memory_space<vmem>>, vector<16xf32>,
      %get3A_33 = arith.constant 128 : index
      %get3A_34 = tpu.vector_load %arg6[%get3A_33] {strides = array<i32>} : memref<160xf32, #tpu.memory_space<vmem>>, vector<16xf32>,
      %get3A_35 = arith.constant 144 : index
      %get3A_36 = tpu.vector_load %arg6[%get3A_35] {strides = array<i32>} : memref<160xf32, #tpu.memory_space<vmem>>, vector<16xf32>,
      tpu.wait_dma2 semaphore(%arg9 : memref<!tpu.dma_semaphore, #tpu.memory_space<semaphore_mem>>) src(%arg2 : memref<20480xf32, #tpu.memory_space<hbm>>) dst(%arg4 : memref<20480xf32, #tpu.memory_space<vmem>>)
      %broadcast_in_dim3A_37 = arith.constant 0 : i32
      %broadcast_in_dim3A_38 = vector.broadcast %broadcast_in_dim3A_37 : i32 to vector<16xi32>
      %scan3A = arith.constant 0 : i32
      %scan3A_39 = arith.constant 16 : i32
      %scan3A_40 = arith.addi %scan3A, %scan3A_39 : i32
      %scan3A_41 = arith.constant 1 : i32
      %scan3A_42:11 = scf.for %scan3A_45 = %scan3A to %scan3A_40 step %scan3A_41 iter_args(%scan3A_46 = %broadcast_in_dim3A_38, %scan3A_47 = %get3A_18, %scan3A_48 = %get3A_20, %scan3A_49 = %get3A_22, %scan3A_50 = %get3A_24, %scan3A_51 = %get3A_26, %scan3A_52 = %get3A_28, %scan3A_53 = %get3A_30, %scan3A_54 = %get3A_32, %scan3A_55 = %get3A_34, %scan3A_56 = %get3A_36) -> (vector<16xi32>, vector<16xf32>, vector<16xf32>, vector<16xf32>, vector<16xf32>, vector<16xf32>, vector<16xf32>, vector<16xf32>, vector<16xf32>, vector<16xf32>, vector<16xf32>)  : i32 {
        %max3A = arith.maximumf %scan3A_47, %scan3A_48 : vector<16xf32>
        %max3A_57 = arith.maximumf %max3A, %scan3A_49 : vector<16xf32>
        %max3A_58 = arith.maximumf %max3A_57, %scan3A_50 : vector<16xf32>
        %max3A_59 = arith.maximumf %max3A_58, %scan3A_51 : vector<16xf32>
        %max3A_60 = arith.maximumf %max3A_59, %scan3A_52 : vector<16xf32>
        %max3A_61 = arith.maximumf %max3A_60, %scan3A_53 : vector<16xf32>
        %max3A_62 = arith.maximumf %max3A_61, %scan3A_54 : vector<16xf32>
        %max3A_63 = arith.maximumf %max3A_62, %scan3A_55 : vector<16xf32>
        %max3A_64 = arith.maximumf %max3A_63, %scan3A_56 : vector<16xf32>
        %reduce_max3A = arith.constant true
        %reduce_max3A_65 = vector.broadcast %reduce_max3A : i1 to vector<16xi1>
        %reduce_max3A_66 = tpu.scan <max>, %max3A_64 masked %reduce_max3A_65 : vector<16xf32>, vector<16xi1> -> vector<16xf32>
        %reduce_max3A_67 = vector.extract %reduce_max3A_66[15] : f32 from vector<16xf32>
        %eq3A_68 = vector.broadcast %reduce_max3A_67 : f32 to vector<16xf32>
        %eq3A_69 = arith.cmpf oeq, %scan3A_47, %eq3A_68 : vector<16xf32>
        %jit3A = arith.constant 1073741824 : i32
        %broadcast_in_dim3A_70 = vector.broadcast %jit3A : i32 to vector<16xi32>
        %select_n3A = arith.select %eq3A_69, %iota3A, %broadcast_in_dim3A_70 : vector<16xi1>, vector<16xi32>
        %eq3A_71 = vector.broadcast %reduce_max3A_67 : f32 to vector<16xf32>
        %eq3A_72 = arith.cmpf oeq, %scan3A_48, %eq3A_71 : vector<16xf32>
        %add3A = arith.constant 16 : i32
        %add3A_73 = vector.broadcast %add3A : i32 to vector<16xi32>
        %add3A_74 = arith.addi %add3A_73, %iota3A : vector<16xi32>
        %jit3A_75 = arith.constant 1073741824 : i32
        %broadcast_in_dim3A_76 = vector.broadcast %jit3A_75 : i32 to vector<16xi32>
        %select_n3A_77 = arith.select %eq3A_72, %add3A_74, %broadcast_in_dim3A_76 : vector<16xi1>, vector<16xi32>
        %min3A = arith.minsi %select_n3A, %select_n3A_77 : vector<16xi32>
        %eq3A_78 = vector.broadcast %reduce_max3A_67 : f32 to vector<16xf32>
        %eq3A_79 = arith.cmpf oeq, %scan3A_49, %eq3A_78 : vector<16xf32>
        %add3A_80 = arith.constant 32 : i32
        %add3A_81 = vector.broadcast %add3A_80 : i32 to vector<16xi32>
        %add3A_82 = arith.addi %add3A_81, %iota3A : vector<16xi32>
        %jit3A_83 = arith.constant 1073741824 : i32
        %broadcast_in_dim3A_84 = vector.broadcast %jit3A_83 : i32 to vector<16xi32>
        %select_n3A_85 = arith.select %eq3A_79, %add3A_82, %broadcast_in_dim3A_84 : vector<16xi1>, vector<16xi32>
        %min3A_86 = arith.minsi %min3A, %select_n3A_85 : vector<16xi32>
        %eq3A_87 = vector.broadcast %reduce_max3A_67 : f32 to vector<16xf32>
        %eq3A_88 = arith.cmpf oeq, %scan3A_50, %eq3A_87 : vector<16xf32>
        %add3A_89 = arith.constant 48 : i32
        %add3A_90 = vector.broadcast %add3A_89 : i32 to vector<16xi32>
        %add3A_91 = arith.addi %add3A_90, %iota3A : vector<16xi32>
        %jit3A_92 = arith.constant 1073741824 : i32
        %broadcast_in_dim3A_93 = vector.broadcast %jit3A_92 : i32 to vector<16xi32>
        %select_n3A_94 = arith.select %eq3A_88, %add3A_91, %broadcast_in_dim3A_93 : vector<16xi1>, vector<16xi32>
        %min3A_95 = arith.minsi %min3A_86, %select_n3A_94 : vector<16xi32>
        %eq3A_96 = vector.broadcast %reduce_max3A_67 : f32 to vector<16xf32>
        %eq3A_97 = arith.cmpf oeq, %scan3A_51, %eq3A_96 : vector<16xf32>
        %add3A_98 = arith.constant 64 : i32
        %add3A_99 = vector.broadcast %add3A_98 : i32 to vector<16xi32>
        %add3A_100 = arith.addi %add3A_99, %iota3A : vector<16xi32>
        %jit3A_101 = arith.constant 1073741824 : i32
        %broadcast_in_dim3A_102 = vector.broadcast %jit3A_101 : i32 to vector<16xi32>
        %select_n3A_103 = arith.select %eq3A_97, %add3A_100, %broadcast_in_dim3A_102 : vector<16xi1>, vector<16xi32>
        %min3A_104 = arith.minsi %min3A_95, %select_n3A_103 : vector<16xi32>
        %eq3A_105 = vector.broadcast %reduce_max3A_67 : f32 to vector<16xf32>
        %eq3A_106 = arith.cmpf oeq, %scan3A_52, %eq3A_105 : vector<16xf32>
        %add3A_107 = arith.constant 80 : i32
        %add3A_108 = vector.broadcast %add3A_107 : i32 to vector<16xi32>
        %add3A_109 = arith.addi %add3A_108, %iota3A : vector<16xi32>
        %jit3A_110 = arith.constant 1073741824 : i32
        %broadcast_in_dim3A_111 = vector.broadcast %jit3A_110 : i32 to vector<16xi32>
        %select_n3A_112 = arith.select %eq3A_106, %add3A_109, %broadcast_in_dim3A_111 : vector<16xi1>, vector<16xi32>
        %min3A_113 = arith.minsi %min3A_104, %select_n3A_112 : vector<16xi32>
        %eq3A_114 = vector.broadcast %reduce_max3A_67 : f32 to vector<16xf32>
        %eq3A_115 = arith.cmpf oeq, %scan3A_53, %eq3A_114 : vector<16xf32>
        %add3A_116 = arith.constant 96 : i32
        %add3A_117 = vector.broadcast %add3A_116 : i32 to vector<16xi32>
        %add3A_118 = arith.addi %add3A_117, %iota3A : vector<16xi32>
        %jit3A_119 = arith.constant 1073741824 : i32
        %broadcast_in_dim3A_120 = vector.broadcast %jit3A_119 : i32 to vector<16xi32>
        %select_n3A_121 = arith.select %eq3A_115, %add3A_118, %broadcast_in_dim3A_120 : vector<16xi1>, vector<16xi32>
        %min3A_122 = arith.minsi %min3A_113, %select_n3A_121 : vector<16xi32>
        %eq3A_123 = vector.broadcast %reduce_max3A_67 : f32 to vector<16xf32>
        %eq3A_124 = arith.cmpf oeq, %scan3A_54, %eq3A_123 : vector<16xf32>
        %add3A_125 = arith.constant 112 : i32
        %add3A_126 = vector.broadcast %add3A_125 : i32 to vector<16xi32>
        %add3A_127 = arith.addi %add3A_126, %iota3A : vector<16xi32>
        %jit3A_128 = arith.constant 1073741824 : i32
        %broadcast_in_dim3A_129 = vector.broadcast %jit3A_128 : i32 to vector<16xi32>
        %select_n3A_130 = arith.select %eq3A_124, %add3A_127, %broadcast_in_dim3A_129 : vector<16xi1>, vector<16xi32>
        %min3A_131 = arith.minsi %min3A_122, %select_n3A_130 : vector<16xi32>
        %eq3A_132 = vector.broadcast %reduce_max3A_67 : f32 to vector<16xf32>
        %eq3A_133 = arith.cmpf oeq, %scan3A_55, %eq3A_132 : vector<16xf32>
        %add3A_134 = arith.constant 128 : i32
        %add3A_135 = vector.broadcast %add3A_134 : i32 to vector<16xi32>
        %add3A_136 = arith.addi %add3A_135, %iota3A : vector<16xi32>
        %jit3A_137 = arith.constant 1073741824 : i32
        %broadcast_in_dim3A_138 = vector.broadcast %jit3A_137 : i32 to vector<16xi32>
        %select_n3A_139 = arith.select %eq3A_133, %add3A_136, %broadcast_in_dim3A_138 : vector<16xi1>, vector<16xi32>
        %min3A_140 = arith.minsi %min3A_131, %select_n3A_139 : vector<16xi32>
        %eq3A_141 = vector.broadcast %reduce_max3A_67 : f32 to vector<16xf32>
        %eq3A_142 = arith.cmpf oeq, %scan3A_56, %eq3A_141 : vector<16xf32>
        %add3A_143 = arith.constant 144 : i32
        %add3A_144 = vector.broadcast %add3A_143 : i32 to vector<16xi32>
        %add3A_145 = arith.addi %add3A_144, %iota3A : vector<16xi32>
        %jit3A_146 = arith.constant 1073741824 : i32
        %broadcast_in_dim3A_147 = vector.broadcast %jit3A_146 : i32 to vector<16xi32>
        %select_n3A_148 = arith.select %eq3A_142, %add3A_145, %broadcast_in_dim3A_147 : vector<16xi1>, vector<16xi32>
        %min3A_149 = arith.minsi %min3A_140, %select_n3A_148 : vector<16xi32>
        %reduce_min3A = arith.constant true
        %reduce_min3A_150 = vector.broadcast %reduce_min3A : i1 to vector<16xi1>
        %reduce_min3A_151 = arith.constant -2147483648 : i32
        %reduce_min3A_152 = vector.broadcast %reduce_min3A_151 : i32 to vector<16xi32>
        %reduce_min3A_153 = arith.xori %min3A_149, %reduce_min3A_152 : vector<16xi32>
        %reduce_min3A_154 = tpu.scan <min>, %reduce_min3A_153 masked %reduce_min3A_150 : vector<16xi32>, vector<16xi1> -> vector<16xi32>
        %reduce_min3A_155 = arith.xori %reduce_min3A_154, %reduce_min3A_152 : vector<16xi32>
        %reduce_min3A_156 = vector.extract %reduce_min3A_155[15] : i32 from vector<16xi32>
        %mul3A = arith.constant 128 : i32
        %mul3A_157 = arith.muli %reduce_min3A_156, %mul3A : i32
        %broadcast_in_dim3A_158 = arith.constant 1073741824 : i32
        %broadcast_in_dim3A_159 = vector.broadcast %broadcast_in_dim3A_158 : i32 to vector<16xi32>
        %add3A_160 = arith.constant 0 : i32
        %add3A_161 = arith.addi %mul3A_157, %add3A_160 : i32
        %get3A_162 = arith.index_cast %add3A_161 : i32 to index
        %get3A_163 = tpu.vector_load %arg4[%get3A_162] {strides = array<i32>} : memref<20480xf32, #tpu.memory_space<vmem>>, vector<16xf32>,
        %eq3A_164 = vector.broadcast %reduce_max3A_67 : f32 to vector<16xf32>
        %eq3A_165 = arith.cmpf oeq, %get3A_163, %eq3A_164 : vector<16xf32>
        %add3A_166 = vector.broadcast %add3A_161 : i32 to vector<16xi32>
        %add3A_167 = arith.addi %add3A_166, %iota3A : vector<16xi32>
        %jit3A_168 = arith.constant 1073741824 : i32
        %broadcast_in_dim3A_169 = vector.broadcast %jit3A_168 : i32 to vector<16xi32>
        %select_n3A_170 = arith.select %eq3A_165, %add3A_167, %broadcast_in_dim3A_169 : vector<16xi1>, vector<16xi32>
        %min3A_171 = arith.minsi %broadcast_in_dim3A_159, %select_n3A_170 : vector<16xi32>
        %add3A_172 = arith.constant 16 : i32
        %add3A_173 = arith.addi %mul3A_157, %add3A_172 : i32
        %get3A_174 = arith.index_cast %add3A_173 : i32 to index
        %get3A_175 = tpu.vector_load %arg4[%get3A_174] {strides = array<i32>} : memref<20480xf32, #tpu.memory_space<vmem>>, vector<16xf32>,
        %eq3A_176 = vector.broadcast %reduce_max3A_67 : f32 to vector<16xf32>
        %eq3A_177 = arith.cmpf oeq, %get3A_175, %eq3A_176 : vector<16xf32>
        %add3A_178 = vector.broadcast %add3A_173 : i32 to vector<16xi32>
        %add3A_179 = arith.addi %add3A_178, %iota3A : vector<16xi32>
        %jit3A_180 = arith.constant 1073741824 : i32
        %broadcast_in_dim3A_181 = vector.broadcast %jit3A_180 : i32 to vector<16xi32>
        %select_n3A_182 = arith.select %eq3A_177, %add3A_179, %broadcast_in_dim3A_181 : vector<16xi1>, vector<16xi32>
        %min3A_183 = arith.minsi %min3A_171, %select_n3A_182 : vector<16xi32>
        %add3A_184 = arith.constant 32 : i32
        %add3A_185 = arith.addi %mul3A_157, %add3A_184 : i32
        %get3A_186 = arith.index_cast %add3A_185 : i32 to index
        %get3A_187 = tpu.vector_load %arg4[%get3A_186] {strides = array<i32>} : memref<20480xf32, #tpu.memory_space<vmem>>, vector<16xf32>,
        %eq3A_188 = vector.broadcast %reduce_max3A_67 : f32 to vector<16xf32>
        %eq3A_189 = arith.cmpf oeq, %get3A_187, %eq3A_188 : vector<16xf32>
        %add3A_190 = vector.broadcast %add3A_185 : i32 to vector<16xi32>
        %add3A_191 = arith.addi %add3A_190, %iota3A : vector<16xi32>
        %jit3A_192 = arith.constant 1073741824 : i32
        %broadcast_in_dim3A_193 = vector.broadcast %jit3A_192 : i32 to vector<16xi32>
        %select_n3A_194 = arith.select %eq3A_189, %add3A_191, %broadcast_in_dim3A_193 : vector<16xi1>, vector<16xi32>
        %min3A_195 = arith.minsi %min3A_183, %select_n3A_194 : vector<16xi32>
        %add3A_196 = arith.constant 48 : i32
        %add3A_197 = arith.addi %mul3A_157, %add3A_196 : i32
        %get3A_198 = arith.index_cast %add3A_197 : i32 to index
        %get3A_199 = tpu.vector_load %arg4[%get3A_198] {strides = array<i32>} : memref<20480xf32, #tpu.memory_space<vmem>>, vector<16xf32>,
        %eq3A_200 = vector.broadcast %reduce_max3A_67 : f32 to vector<16xf32>
        %eq3A_201 = arith.cmpf oeq, %get3A_199, %eq3A_200 : vector<16xf32>
        %add3A_202 = vector.broadcast %add3A_197 : i32 to vector<16xi32>
        %add3A_203 = arith.addi %add3A_202, %iota3A : vector<16xi32>
        %jit3A_204 = arith.constant 1073741824 : i32
        %broadcast_in_dim3A_205 = vector.broadcast %jit3A_204 : i32 to vector<16xi32>
        %select_n3A_206 = arith.select %eq3A_201, %add3A_203, %broadcast_in_dim3A_205 : vector<16xi1>, vector<16xi32>
        %min3A_207 = arith.minsi %min3A_195, %select_n3A_206 : vector<16xi32>
        %add3A_208 = arith.constant 64 : i32
        %add3A_209 = arith.addi %mul3A_157, %add3A_208 : i32
        %get3A_210 = arith.index_cast %add3A_209 : i32 to index
        %get3A_211 = tpu.vector_load %arg4[%get3A_210] {strides = array<i32>} : memref<20480xf32, #tpu.memory_space<vmem>>, vector<16xf32>,
        %eq3A_212 = vector.broadcast %reduce_max3A_67 : f32 to vector<16xf32>
        %eq3A_213 = arith.cmpf oeq, %get3A_211, %eq3A_212 : vector<16xf32>
        %add3A_214 = vector.broadcast %add3A_209 : i32 to vector<16xi32>
        %add3A_215 = arith.addi %add3A_214, %iota3A : vector<16xi32>
        %jit3A_216 = arith.constant 1073741824 : i32
        %broadcast_in_dim3A_217 = vector.broadcast %jit3A_216 : i32 to vector<16xi32>
        %select_n3A_218 = arith.select %eq3A_213, %add3A_215, %broadcast_in_dim3A_217 : vector<16xi1>, vector<16xi32>
        %min3A_219 = arith.minsi %min3A_207, %select_n3A_218 : vector<16xi32>
        %add3A_220 = arith.constant 80 : i32
        %add3A_221 = arith.addi %mul3A_157, %add3A_220 : i32
        %get3A_222 = arith.index_cast %add3A_221 : i32 to index
        %get3A_223 = tpu.vector_load %arg4[%get3A_222] {strides = array<i32>} : memref<20480xf32, #tpu.memory_space<vmem>>, vector<16xf32>,
        %eq3A_224 = vector.broadcast %reduce_max3A_67 : f32 to vector<16xf32>
        %eq3A_225 = arith.cmpf oeq, %get3A_223, %eq3A_224 : vector<16xf32>
        %add3A_226 = vector.broadcast %add3A_221 : i32 to vector<16xi32>
        %add3A_227 = arith.addi %add3A_226, %iota3A : vector<16xi32>
        %jit3A_228 = arith.constant 1073741824 : i32
        %broadcast_in_dim3A_229 = vector.broadcast %jit3A_228 : i32 to vector<16xi32>
        %select_n3A_230 = arith.select %eq3A_225, %add3A_227, %broadcast_in_dim3A_229 : vector<16xi1>, vector<16xi32>
        %min3A_231 = arith.minsi %min3A_219, %select_n3A_230 : vector<16xi32>
        %add3A_232 = arith.constant 96 : i32
        %add3A_233 = arith.addi %mul3A_157, %add3A_232 : i32
        %get3A_234 = arith.index_cast %add3A_233 : i32 to index
        %get3A_235 = tpu.vector_load %arg4[%get3A_234] {strides = array<i32>} : memref<20480xf32, #tpu.memory_space<vmem>>, vector<16xf32>,
        %eq3A_236 = vector.broadcast %reduce_max3A_67 : f32 to vector<16xf32>
        %eq3A_237 = arith.cmpf oeq, %get3A_235, %eq3A_236 : vector<16xf32>
        %add3A_238 = vector.broadcast %add3A_233 : i32 to vector<16xi32>
        %add3A_239 = arith.addi %add3A_238, %iota3A : vector<16xi32>
        %jit3A_240 = arith.constant 1073741824 : i32
        %broadcast_in_dim3A_241 = vector.broadcast %jit3A_240 : i32 to vector<16xi32>
        %select_n3A_242 = arith.select %eq3A_237, %add3A_239, %broadcast_in_dim3A_241 : vector<16xi1>, vector<16xi32>
        %min3A_243 = arith.minsi %min3A_231, %select_n3A_242 : vector<16xi32>
        %add3A_244 = arith.constant 112 : i32
        %add3A_245 = arith.addi %mul3A_157, %add3A_244 : i32
        %get3A_246 = arith.index_cast %add3A_245 : i32 to index
        %get3A_247 = tpu.vector_load %arg4[%get3A_246] {strides = array<i32>} : memref<20480xf32, #tpu.memory_space<vmem>>, vector<16xf32>,
        %eq3A_248 = vector.broadcast %reduce_max3A_67 : f32 to vector<16xf32>
        %eq3A_249 = arith.cmpf oeq, %get3A_247, %eq3A_248 : vector<16xf32>
        %add3A_250 = vector.broadcast %add3A_245 : i32 to vector<16xi32>
        %add3A_251 = arith.addi %add3A_250, %iota3A : vector<16xi32>
        %jit3A_252 = arith.constant 1073741824 : i32
        %broadcast_in_dim3A_253 = vector.broadcast %jit3A_252 : i32 to vector<16xi32>
        %select_n3A_254 = arith.select %eq3A_249, %add3A_251, %broadcast_in_dim3A_253 : vector<16xi1>, vector<16xi32>
        %min3A_255 = arith.minsi %min3A_243, %select_n3A_254 : vector<16xi32>
        %reduce_min3A_256 = arith.constant true
        %reduce_min3A_257 = vector.broadcast %reduce_min3A_256 : i1 to vector<16xi1>
        %reduce_min3A_258 = arith.constant -2147483648 : i32
        %reduce_min3A_259 = vector.broadcast %reduce_min3A_258 : i32 to vector<16xi32>
        %reduce_min3A_260 = arith.xori %min3A_255, %reduce_min3A_259 : vector<16xi32>
        %reduce_min3A_261 = tpu.scan <min>, %reduce_min3A_260 masked %reduce_min3A_257 : vector<16xi32>, vector<16xi1> -> vector<16xi32>
        %reduce_min3A_262 = arith.xori %reduce_min3A_261, %reduce_min3A_259 : vector<16xi32>
        %reduce_min3A_263 = vector.extract %reduce_min3A_262[15] : i32 from vector<16xi32>
        %eq3A_264 = vector.broadcast %scan3A_45 : i32 to vector<16xi32>
        %eq3A_265 = arith.cmpi eq, %iota3A, %eq3A_264 : vector<16xi32>
        %broadcast_in_dim3A_266 = vector.broadcast %reduce_min3A_263 : i32 to vector<16xi32>
        %select_n3A_267 = arith.select %eq3A_265, %broadcast_in_dim3A_266, %scan3A_46 : vector<16xi1>, vector<16xi32>
        %sub3A = arith.constant 64 : i32
        %sub3A_268 = arith.subi %reduce_min3A_263, %sub3A : i32
        %add3A_269 = arith.constant 64 : i32
        %add3A_270 = arith.addi %reduce_min3A_263, %add3A_269 : i32
        %max3A_271 = arith.constant 0 : i32
        %max3A_272 = arith.maxsi %sub3A_268, %max3A_271 : i32
        %jit3A_273 = arith.constant 128 : i32
        %div3A = arith.divsi %max3A_272, %jit3A_273 : i32
        %sign3A = arith.constant 0 : i32
        %sign3A_274 = arith.cmpi sgt, %max3A_272, %sign3A : i32
        %sign3A_275 = arith.extui %sign3A_274 : i1 to i32
        %sign3A_276 = arith.constant 0 : i32
        %sign3A_277 = arith.cmpi slt, %max3A_272, %sign3A_276 : i32
        %sign3A_278 = arith.extui %sign3A_277 : i1 to i32
        %sign3A_279 = arith.subi %sign3A_275, %sign3A_278 : i32
        %sign3A_280 = arith.constant 0 : i32
        %sign3A_281 = arith.cmpi sgt, %jit3A_273, %sign3A_280 : i32
        %sign3A_282 = arith.extui %sign3A_281 : i1 to i32
        %sign3A_283 = arith.constant 0 : i32
        %sign3A_284 = arith.cmpi slt, %jit3A_273, %sign3A_283 : i32
        %sign3A_285 = arith.extui %sign3A_284 : i1 to i32
        %sign3A_286 = arith.subi %sign3A_282, %sign3A_285 : i32
        %ne3A = arith.cmpi ne, %sign3A_279, %sign3A_286 : i32
        %rem3A = arith.remsi %max3A_272, %jit3A_273 : i32
        %ne3A_287 = arith.constant 0 : i32
        %ne3A_288 = arith.cmpi ne, %rem3A, %ne3A_287 : i32
        %and3A_289 = arith.andi %ne3A, %ne3A_288 : i1
        %sub3A_290 = arith.constant 1 : i32
        %sub3A_291 = arith.subi %div3A, %sub3A_290 : i32
        %select_n3A_292 = arith.select %and3A_289, %sub3A_291, %div3A : i32
        %add3A_293 = arith.constant 0 : i32
        %add3A_294 = arith.addi %select_n3A_292, %add3A_293 : i32
        %mul3A_295 = arith.constant 128 : i32
        %mul3A_296 = arith.muli %add3A_294, %mul3A_295 : i32
        %add3A_297 = arith.constant 0 : i32
        %add3A_298 = arith.addi %mul3A_296, %add3A_297 : i32
        %add3A_299 = vector.broadcast %add3A_298 : i32 to vector<16xi32>
        %add3A_300 = arith.addi %add3A_299, %iota3A : vector<16xi32>
        %get3A_301 = arith.index_cast %add3A_298 : i32 to index
        %get3A_302 = tpu.vector_load %arg4[%get3A_301] {strides = array<i32>} : memref<20480xf32, #tpu.memory_space<vmem>>, vector<16xf32>,
        %ge3A_303 = vector.broadcast %sub3A_268 : i32 to vector<16xi32>
        %ge3A_304 = arith.cmpi sge, %add3A_300, %ge3A_303 : vector<16xi32>
        %le3A_305 = vector.broadcast %add3A_270 : i32 to vector<16xi32>
        %le3A_306 = arith.cmpi sle, %add3A_300, %le3A_305 : vector<16xi32>
        %and3A_307 = arith.andi %ge3A_304, %le3A_306 : vector<16xi1>
        %jit3A_308 = arith.constant 0xFF800000 : f32
        %broadcast_in_dim3A_309 = vector.broadcast %jit3A_308 : f32 to vector<16xf32>
        %select_n3A_310 = arith.select %and3A_307, %broadcast_in_dim3A_309, %get3A_302 : vector<16xi1>, vector<16xf32>
        %swap3A_311 = arith.index_cast %add3A_298 : i32 to index
        %swap3A_312 = tpu.vector_load %arg4[%swap3A_311] {strides = array<i32>} : memref<20480xf32, #tpu.memory_space<vmem>>, vector<16xf32>,
        tpu.vector_store %arg4[%swap3A_311], %select_n3A_310 {strides = array<i32>} : memref<20480xf32, #tpu.memory_space<vmem>>, vector<16xf32>,
        %max3A_313 = arith.maximumf %broadcast_in_dim3A_1, %select_n3A_310 : vector<16xf32>
        %add3A_314 = arith.constant 0 : i32
        %add3A_315 = arith.addi %select_n3A_292, %add3A_314 : i32
        %mul3A_316 = arith.constant 128 : i32
        %mul3A_317 = arith.muli %add3A_315, %mul3A_316 : i32
        %add3A_318 = arith.constant 16 : i32
        %add3A_319 = arith.addi %mul3A_317, %add3A_318 : i32
        %add3A_320 = vector.broadcast %add3A_319 : i32 to vector<16xi32>
        %add3A_321 = arith.addi %add3A_320, %iota3A : vector<16xi32>
        %get3A_322 = arith.index_cast %add3A_319 : i32 to index
        %get3A_323 = tpu.vector_load %arg4[%get3A_322] {strides = array<i32>} : memref<20480xf32, #tpu.memory_space<vmem>>, vector<16xf32>,
        %ge3A_324 = vector.broadcast %sub3A_268 : i32 to vector<16xi32>
        %ge3A_325 = arith.cmpi sge, %add3A_321, %ge3A_324 : vector<16xi32>
        %le3A_326 = vector.broadcast %add3A_270 : i32 to vector<16xi32>
        %le3A_327 = arith.cmpi sle, %add3A_321, %le3A_326 : vector<16xi32>
        %and3A_328 = arith.andi %ge3A_325, %le3A_327 : vector<16xi1>
        %jit3A_329 = arith.constant 0xFF800000 : f32
        %broadcast_in_dim3A_330 = vector.broadcast %jit3A_329 : f32 to vector<16xf32>
        %select_n3A_331 = arith.select %and3A_328, %broadcast_in_dim3A_330, %get3A_323 : vector<16xi1>, vector<16xf32>
        %swap3A_332 = arith.index_cast %add3A_319 : i32 to index
        %swap3A_333 = tpu.vector_load %arg4[%swap3A_332] {strides = array<i32>} : memref<20480xf32, #tpu.memory_space<vmem>>, vector<16xf32>,
        tpu.vector_store %arg4[%swap3A_332], %select_n3A_331 {strides = array<i32>} : memref<20480xf32, #tpu.memory_space<vmem>>, vector<16xf32>,
        %max3A_334 = arith.maximumf %max3A_313, %select_n3A_331 : vector<16xf32>
        %add3A_335 = arith.constant 0 : i32
        %add3A_336 = arith.addi %select_n3A_292, %add3A_335 : i32
        %mul3A_337 = arith.constant 128 : i32
        %mul3A_338 = arith.muli %add3A_336, %mul3A_337 : i32
        %add3A_339 = arith.constant 32 : i32
        %add3A_340 = arith.addi %mul3A_338, %add3A_339 : i32
        %add3A_341 = vector.broadcast %add3A_340 : i32 to vector<16xi32>
        %add3A_342 = arith.addi %add3A_341, %iota3A : vector<16xi32>
        %get3A_343 = arith.index_cast %add3A_340 : i32 to index
        %get3A_344 = tpu.vector_load %arg4[%get3A_343] {strides = array<i32>} : memref<20480xf32, #tpu.memory_space<vmem>>, vector<16xf32>,
        %ge3A_345 = vector.broadcast %sub3A_268 : i32 to vector<16xi32>
        %ge3A_346 = arith.cmpi sge, %add3A_342, %ge3A_345 : vector<16xi32>
        %le3A_347 = vector.broadcast %add3A_270 : i32 to vector<16xi32>
        %le3A_348 = arith.cmpi sle, %add3A_342, %le3A_347 : vector<16xi32>
        %and3A_349 = arith.andi %ge3A_346, %le3A_348 : vector<16xi1>
        %jit3A_350 = arith.constant 0xFF800000 : f32
        %broadcast_in_dim3A_351 = vector.broadcast %jit3A_350 : f32 to vector<16xf32>
        %select_n3A_352 = arith.select %and3A_349, %broadcast_in_dim3A_351, %get3A_344 : vector<16xi1>, vector<16xf32>
        %swap3A_353 = arith.index_cast %add3A_340 : i32 to index
        %swap3A_354 = tpu.vector_load %arg4[%swap3A_353] {strides = array<i32>} : memref<20480xf32, #tpu.memory_space<vmem>>, vector<16xf32>,
        tpu.vector_store %arg4[%swap3A_353], %select_n3A_352 {strides = array<i32>} : memref<20480xf32, #tpu.memory_space<vmem>>, vector<16xf32>,
        %max3A_355 = arith.maximumf %max3A_334, %select_n3A_352 : vector<16xf32>
        %add3A_356 = arith.constant 0 : i32
        %add3A_357 = arith.addi %select_n3A_292, %add3A_356 : i32
        %mul3A_358 = arith.constant 128 : i32
        %mul3A_359 = arith.muli %add3A_357, %mul3A_358 : i32
        %add3A_360 = arith.constant 48 : i32
        %add3A_361 = arith.addi %mul3A_359, %add3A_360 : i32
        %add3A_362 = vector.broadcast %add3A_361 : i32 to vector<16xi32>
        %add3A_363 = arith.addi %add3A_362, %iota3A : vector<16xi32>
        %get3A_364 = arith.index_cast %add3A_361 : i32 to index
        %get3A_365 = tpu.vector_load %arg4[%get3A_364] {strides = array<i32>} : memref<20480xf32, #tpu.memory_space<vmem>>, vector<16xf32>,
        %ge3A_366 = vector.broadcast %sub3A_268 : i32 to vector<16xi32>
        %ge3A_367 = arith.cmpi sge, %add3A_363, %ge3A_366 : vector<16xi32>
        %le3A_368 = vector.broadcast %add3A_270 : i32 to vector<16xi32>
        %le3A_369 = arith.cmpi sle, %add3A_363, %le3A_368 : vector<16xi32>
        %and3A_370 = arith.andi %ge3A_367, %le3A_369 : vector<16xi1>
        %jit3A_371 = arith.constant 0xFF800000 : f32
        %broadcast_in_dim3A_372 = vector.broadcast %jit3A_371 : f32 to vector<16xf32>
        %select_n3A_373 = arith.select %and3A_370, %broadcast_in_dim3A_372, %get3A_365 : vector<16xi1>, vector<16xf32>
        %swap3A_374 = arith.index_cast %add3A_361 : i32 to index
        %swap3A_375 = tpu.vector_load %arg4[%swap3A_374] {strides = array<i32>} : memref<20480xf32, #tpu.memory_space<vmem>>, vector<16xf32>,
        tpu.vector_store %arg4[%swap3A_374], %select_n3A_373 {strides = array<i32>} : memref<20480xf32, #tpu.memory_space<vmem>>, vector<16xf32>,
        %max3A_376 = arith.maximumf %max3A_355, %select_n3A_373 : vector<16xf32>
        %add3A_377 = arith.constant 0 : i32
        %add3A_378 = arith.addi %select_n3A_292, %add3A_377 : i32
        %mul3A_379 = arith.constant 128 : i32
        %mul3A_380 = arith.muli %add3A_378, %mul3A_379 : i32
        %add3A_381 = arith.constant 64 : i32
        %add3A_382 = arith.addi %mul3A_380, %add3A_381 : i32
        %add3A_383 = vector.broadcast %add3A_382 : i32 to vector<16xi32>
        %add3A_384 = arith.addi %add3A_383, %iota3A : vector<16xi32>
        %get3A_385 = arith.index_cast %add3A_382 : i32 to index
        %get3A_386 = tpu.vector_load %arg4[%get3A_385] {strides = array<i32>} : memref<20480xf32, #tpu.memory_space<vmem>>, vector<16xf32>,
        %ge3A_387 = vector.broadcast %sub3A_268 : i32 to vector<16xi32>
        %ge3A_388 = arith.cmpi sge, %add3A_384, %ge3A_387 : vector<16xi32>
        %le3A_389 = vector.broadcast %add3A_270 : i32 to vector<16xi32>
        %le3A_390 = arith.cmpi sle, %add3A_384, %le3A_389 : vector<16xi32>
        %and3A_391 = arith.andi %ge3A_388, %le3A_390 : vector<16xi1>
        %jit3A_392 = arith.constant 0xFF800000 : f32
        %broadcast_in_dim3A_393 = vector.broadcast %jit3A_392 : f32 to vector<16xf32>
        %select_n3A_394 = arith.select %and3A_391, %broadcast_in_dim3A_393, %get3A_386 : vector<16xi1>, vector<16xf32>
        %swap3A_395 = arith.index_cast %add3A_382 : i32 to index
        %swap3A_396 = tpu.vector_load %arg4[%swap3A_395] {strides = array<i32>} : memref<20480xf32, #tpu.memory_space<vmem>>, vector<16xf32>,
        tpu.vector_store %arg4[%swap3A_395], %select_n3A_394 {strides = array<i32>} : memref<20480xf32, #tpu.memory_space<vmem>>, vector<16xf32>,
        %max3A_397 = arith.maximumf %max3A_376, %select_n3A_394 : vector<16xf32>
        %add3A_398 = arith.constant 0 : i32
        %add3A_399 = arith.addi %select_n3A_292, %add3A_398 : i32
        %mul3A_400 = arith.constant 128 : i32
        %mul3A_401 = arith.muli %add3A_399, %mul3A_400 : i32
        %add3A_402 = arith.constant 80 : i32
        %add3A_403 = arith.addi %mul3A_401, %add3A_402 : i32
        %add3A_404 = vector.broadcast %add3A_403 : i32 to vector<16xi32>
        %add3A_405 = arith.addi %add3A_404, %iota3A : vector<16xi32>
        %get3A_406 = arith.index_cast %add3A_403 : i32 to index
        %get3A_407 = tpu.vector_load %arg4[%get3A_406] {strides = array<i32>} : memref<20480xf32, #tpu.memory_space<vmem>>, vector<16xf32>,
        %ge3A_408 = vector.broadcast %sub3A_268 : i32 to vector<16xi32>
        %ge3A_409 = arith.cmpi sge, %add3A_405, %ge3A_408 : vector<16xi32>
        %le3A_410 = vector.broadcast %add3A_270 : i32 to vector<16xi32>
        %le3A_411 = arith.cmpi sle, %add3A_405, %le3A_410 : vector<16xi32>
        %and3A_412 = arith.andi %ge3A_409, %le3A_411 : vector<16xi1>
        %jit3A_413 = arith.constant 0xFF800000 : f32
        %broadcast_in_dim3A_414 = vector.broadcast %jit3A_413 : f32 to vector<16xf32>
        %select_n3A_415 = arith.select %and3A_412, %broadcast_in_dim3A_414, %get3A_407 : vector<16xi1>, vector<16xf32>
        %swap3A_416 = arith.index_cast %add3A_403 : i32 to index
        %swap3A_417 = tpu.vector_load %arg4[%swap3A_416] {strides = array<i32>} : memref<20480xf32, #tpu.memory_space<vmem>>, vector<16xf32>,
        tpu.vector_store %arg4[%swap3A_416], %select_n3A_415 {strides = array<i32>} : memref<20480xf32, #tpu.memory_space<vmem>>, vector<16xf32>,
        %max3A_418 = arith.maximumf %max3A_397, %select_n3A_415 : vector<16xf32>
        %add3A_419 = arith.constant 0 : i32
        %add3A_420 = arith.addi %select_n3A_292, %add3A_419 : i32
        %mul3A_421 = arith.constant 128 : i32
        %mul3A_422 = arith.muli %add3A_420, %mul3A_421 : i32
        %add3A_423 = arith.constant 96 : i32
        %add3A_424 = arith.addi %mul3A_422, %add3A_423 : i32
        %add3A_425 = vector.broadcast %add3A_424 : i32 to vector<16xi32>
        %add3A_426 = arith.addi %add3A_425, %iota3A : vector<16xi32>
        %get3A_427 = arith.index_cast %add3A_424 : i32 to index
        %get3A_428 = tpu.vector_load %arg4[%get3A_427] {strides = array<i32>} : memref<20480xf32, #tpu.memory_space<vmem>>, vector<16xf32>,
        %ge3A_429 = vector.broadcast %sub3A_268 : i32 to vector<16xi32>
        %ge3A_430 = arith.cmpi sge, %add3A_426, %ge3A_429 : vector<16xi32>
        %le3A_431 = vector.broadcast %add3A_270 : i32 to vector<16xi32>
        %le3A_432 = arith.cmpi sle, %add3A_426, %le3A_431 : vector<16xi32>
        %and3A_433 = arith.andi %ge3A_430, %le3A_432 : vector<16xi1>
        %jit3A_434 = arith.constant 0xFF800000 : f32
        %broadcast_in_dim3A_435 = vector.broadcast %jit3A_434 : f32 to vector<16xf32>
        %select_n3A_436 = arith.select %and3A_433, %broadcast_in_dim3A_435, %get3A_428 : vector<16xi1>, vector<16xf32>
        %swap3A_437 = arith.index_cast %add3A_424 : i32 to index
        %swap3A_438 = tpu.vector_load %arg4[%swap3A_437] {strides = array<i32>} : memref<20480xf32, #tpu.memory_space<vmem>>, vector<16xf32>,
        tpu.vector_store %arg4[%swap3A_437], %select_n3A_436 {strides = array<i32>} : memref<20480xf32, #tpu.memory_space<vmem>>, vector<16xf32>,
        %max3A_439 = arith.maximumf %max3A_418, %select_n3A_436 : vector<16xf32>
        %add3A_440 = arith.constant 0 : i32
        %add3A_441 = arith.addi %select_n3A_292, %add3A_440 : i32
        %mul3A_442 = arith.constant 128 : i32
        %mul3A_443 = arith.muli %add3A_441, %mul3A_442 : i32
        %add3A_444 = arith.constant 112 : i32
        %add3A_445 = arith.addi %mul3A_443, %add3A_444 : i32
        %add3A_446 = vector.broadcast %add3A_445 : i32 to vector<16xi32>
        %add3A_447 = arith.addi %add3A_446, %iota3A : vector<16xi32>
        %get3A_448 = arith.index_cast %add3A_445 : i32 to index
        %get3A_449 = tpu.vector_load %arg4[%get3A_448] {strides = array<i32>} : memref<20480xf32, #tpu.memory_space<vmem>>, vector<16xf32>,
        %ge3A_450 = vector.broadcast %sub3A_268 : i32 to vector<16xi32>
        %ge3A_451 = arith.cmpi sge, %add3A_447, %ge3A_450 : vector<16xi32>
        %le3A_452 = vector.broadcast %add3A_270 : i32 to vector<16xi32>
        %le3A_453 = arith.cmpi sle, %add3A_447, %le3A_452 : vector<16xi32>
        %and3A_454 = arith.andi %ge3A_451, %le3A_453 : vector<16xi1>
        %jit3A_455 = arith.constant 0xFF800000 : f32
        %broadcast_in_dim3A_456 = vector.broadcast %jit3A_455 : f32 to vector<16xf32>
        %select_n3A_457 = arith.select %and3A_454, %broadcast_in_dim3A_456, %get3A_449 : vector<16xi1>, vector<16xf32>
        %swap3A_458 = arith.index_cast %add3A_445 : i32 to index
        %swap3A_459 = tpu.vector_load %arg4[%swap3A_458] {strides = array<i32>} : memref<20480xf32, #tpu.memory_space<vmem>>, vector<16xf32>,
        tpu.vector_store %arg4[%swap3A_458], %select_n3A_457 {strides = array<i32>} : memref<20480xf32, #tpu.memory_space<vmem>>, vector<16xf32>,
        %max3A_460 = arith.maximumf %max3A_439, %select_n3A_457 : vector<16xf32>
        %reduce_max3A_461 = arith.constant true
        %reduce_max3A_462 = vector.broadcast %reduce_max3A_461 : i1 to vector<16xi1>
        %reduce_max3A_463 = tpu.scan <max>, %max3A_460 masked %reduce_max3A_462 : vector<16xf32>, vector<16xi1> -> vector<16xf32>
        %reduce_max3A_464 = vector.extract %reduce_max3A_463[15] : f32 from vector<16xf32>
        %add3A_465 = arith.constant 1 : i32
        %add3A_466 = arith.addi %select_n3A_292, %add3A_465 : i32
        %mul3A_467 = arith.constant 128 : i32
        %mul3A_468 = arith.muli %add3A_466, %mul3A_467 : i32
        %add3A_469 = arith.constant 0 : i32
        %add3A_470 = arith.addi %mul3A_468, %add3A_469 : i32
        %add3A_471 = vector.broadcast %add3A_470 : i32 to vector<16xi32>
        %add3A_472 = arith.addi %add3A_471, %iota3A : vector<16xi32>
        %get3A_473 = arith.index_cast %add3A_470 : i32 to index
        %get3A_474 = tpu.vector_load %arg4[%get3A_473] {strides = array<i32>} : memref<20480xf32, #tpu.memory_space<vmem>>, vector<16xf32>,
        %ge3A_475 = vector.broadcast %sub3A_268 : i32 to vector<16xi32>
        %ge3A_476 = arith.cmpi sge, %add3A_472, %ge3A_475 : vector<16xi32>
        %le3A_477 = vector.broadcast %add3A_270 : i32 to vector<16xi32>
        %le3A_478 = arith.cmpi sle, %add3A_472, %le3A_477 : vector<16xi32>
        %and3A_479 = arith.andi %ge3A_476, %le3A_478 : vector<16xi1>
        %jit3A_480 = arith.constant 0xFF800000 : f32
        %broadcast_in_dim3A_481 = vector.broadcast %jit3A_480 : f32 to vector<16xf32>
        %select_n3A_482 = arith.select %and3A_479, %broadcast_in_dim3A_481, %get3A_474 : vector<16xi1>, vector<16xf32>
        %swap3A_483 = arith.index_cast %add3A_470 : i32 to index
        %swap3A_484 = tpu.vector_load %arg4[%swap3A_483] {strides = array<i32>} : memref<20480xf32, #tpu.memory_space<vmem>>, vector<16xf32>,
        tpu.vector_store %arg4[%swap3A_483], %select_n3A_482 {strides = array<i32>} : memref<20480xf32, #tpu.memory_space<vmem>>, vector<16xf32>,
        %max3A_485 = arith.maximumf %broadcast_in_dim3A_1, %select_n3A_482 : vector<16xf32>
        %add3A_486 = arith.constant 1 : i32
        %add3A_487 = arith.addi %select_n3A_292, %add3A_486 : i32
        %mul3A_488 = arith.constant 128 : i32
        %mul3A_489 = arith.muli %add3A_487, %mul3A_488 : i32
        %add3A_490 = arith.constant 16 : i32
        %add3A_491 = arith.addi %mul3A_489, %add3A_490 : i32
        %add3A_492 = vector.broadcast %add3A_491 : i32 to vector<16xi32>
        %add3A_493 = arith.addi %add3A_492, %iota3A : vector<16xi32>
        %get3A_494 = arith.index_cast %add3A_491 : i32 to index
        %get3A_495 = tpu.vector_load %arg4[%get3A_494] {strides = array<i32>} : memref<20480xf32, #tpu.memory_space<vmem>>, vector<16xf32>,
        %ge3A_496 = vector.broadcast %sub3A_268 : i32 to vector<16xi32>
        %ge3A_497 = arith.cmpi sge, %add3A_493, %ge3A_496 : vector<16xi32>
        %le3A_498 = vector.broadcast %add3A_270 : i32 to vector<16xi32>
        %le3A_499 = arith.cmpi sle, %add3A_493, %le3A_498 : vector<16xi32>
        %and3A_500 = arith.andi %ge3A_497, %le3A_499 : vector<16xi1>
        %jit3A_501 = arith.constant 0xFF800000 : f32
        %broadcast_in_dim3A_502 = vector.broadcast %jit3A_501 : f32 to vector<16xf32>
        %select_n3A_503 = arith.select %and3A_500, %broadcast_in_dim3A_502, %get3A_495 : vector<16xi1>, vector<16xf32>
        %swap3A_504 = arith.index_cast %add3A_491 : i32 to index
        %swap3A_505 = tpu.vector_load %arg4[%swap3A_504] {strides = array<i32>} : memref<20480xf32, #tpu.memory_space<vmem>>, vector<16xf32>,
        tpu.vector_store %arg4[%swap3A_504], %select_n3A_503 {strides = array<i32>} : memref<20480xf32, #tpu.memory_space<vmem>>, vector<16xf32>,
        %max3A_506 = arith.maximumf %max3A_485, %select_n3A_503 : vector<16xf32>
        %add3A_507 = arith.constant 1 : i32
        %add3A_508 = arith.addi %select_n3A_292, %add3A_507 : i32
        %mul3A_509 = arith.constant 128 : i32
        %mul3A_510 = arith.muli %add3A_508, %mul3A_509 : i32
        %add3A_511 = arith.constant 32 : i32
        %add3A_512 = arith.addi %mul3A_510, %add3A_511 : i32
        %add3A_513 = vector.broadcast %add3A_512 : i32 to vector<16xi32>
        %add3A_514 = arith.addi %add3A_513, %iota3A : vector<16xi32>
        %get3A_515 = arith.index_cast %add3A_512 : i32 to index
        %get3A_516 = tpu.vector_load %arg4[%get3A_515] {strides = array<i32>} : memref<20480xf32, #tpu.memory_space<vmem>>, vector<16xf32>,
        %ge3A_517 = vector.broadcast %sub3A_268 : i32 to vector<16xi32>
        %ge3A_518 = arith.cmpi sge, %add3A_514, %ge3A_517 : vector<16xi32>
        %le3A_519 = vector.broadcast %add3A_270 : i32 to vector<16xi32>
        %le3A_520 = arith.cmpi sle, %add3A_514, %le3A_519 : vector<16xi32>
        %and3A_521 = arith.andi %ge3A_518, %le3A_520 : vector<16xi1>
        %jit3A_522 = arith.constant 0xFF800000 : f32
        %broadcast_in_dim3A_523 = vector.broadcast %jit3A_522 : f32 to vector<16xf32>
        %select_n3A_524 = arith.select %and3A_521, %broadcast_in_dim3A_523, %get3A_516 : vector<16xi1>, vector<16xf32>
        %swap3A_525 = arith.index_cast %add3A_512 : i32 to index
        %swap3A_526 = tpu.vector_load %arg4[%swap3A_525] {strides = array<i32>} : memref<20480xf32, #tpu.memory_space<vmem>>, vector<16xf32>,
        tpu.vector_store %arg4[%swap3A_525], %select_n3A_524 {strides = array<i32>} : memref<20480xf32, #tpu.memory_space<vmem>>, vector<16xf32>,
        %max3A_527 = arith.maximumf %max3A_506, %select_n3A_524 : vector<16xf32>
        %add3A_528 = arith.constant 1 : i32
        %add3A_529 = arith.addi %select_n3A_292, %add3A_528 : i32
        %mul3A_530 = arith.constant 128 : i32
        %mul3A_531 = arith.muli %add3A_529, %mul3A_530 : i32
        %add3A_532 = arith.constant 48 : i32
        %add3A_533 = arith.addi %mul3A_531, %add3A_532 : i32
        %add3A_534 = vector.broadcast %add3A_533 : i32 to vector<16xi32>
        %add3A_535 = arith.addi %add3A_534, %iota3A : vector<16xi32>
        %get3A_536 = arith.index_cast %add3A_533 : i32 to index
        %get3A_537 = tpu.vector_load %arg4[%get3A_536] {strides = array<i32>} : memref<20480xf32, #tpu.memory_space<vmem>>, vector<16xf32>,
        %ge3A_538 = vector.broadcast %sub3A_268 : i32 to vector<16xi32>
        %ge3A_539 = arith.cmpi sge, %add3A_535, %ge3A_538 : vector<16xi32>
        %le3A_540 = vector.broadcast %add3A_270 : i32 to vector<16xi32>
        %le3A_541 = arith.cmpi sle, %add3A_535, %le3A_540 : vector<16xi32>
        %and3A_542 = arith.andi %ge3A_539, %le3A_541 : vector<16xi1>
        %jit3A_543 = arith.constant 0xFF800000 : f32
        %broadcast_in_dim3A_544 = vector.broadcast %jit3A_543 : f32 to vector<16xf32>
        %select_n3A_545 = arith.select %and3A_542, %broadcast_in_dim3A_544, %get3A_537 : vector<16xi1>, vector<16xf32>
        %swap3A_546 = arith.index_cast %add3A_533 : i32 to index
        %swap3A_547 = tpu.vector_load %arg4[%swap3A_546] {strides = array<i32>} : memref<20480xf32, #tpu.memory_space<vmem>>, vector<16xf32>,
        tpu.vector_store %arg4[%swap3A_546], %select_n3A_545 {strides = array<i32>} : memref<20480xf32, #tpu.memory_space<vmem>>, vector<16xf32>,
        %max3A_548 = arith.maximumf %max3A_527, %select_n3A_545 : vector<16xf32>
        %add3A_549 = arith.constant 1 : i32
        %add3A_550 = arith.addi %select_n3A_292, %add3A_549 : i32
        %mul3A_551 = arith.constant 128 : i32
        %mul3A_552 = arith.muli %add3A_550, %mul3A_551 : i32
        %add3A_553 = arith.constant 64 : i32
        %add3A_554 = arith.addi %mul3A_552, %add3A_553 : i32
        %add3A_555 = vector.broadcast %add3A_554 : i32 to vector<16xi32>
        %add3A_556 = arith.addi %add3A_555, %iota3A : vector<16xi32>
        %get3A_557 = arith.index_cast %add3A_554 : i32 to index
        %get3A_558 = tpu.vector_load %arg4[%get3A_557] {strides = array<i32>} : memref<20480xf32, #tpu.memory_space<vmem>>, vector<16xf32>,
        %ge3A_559 = vector.broadcast %sub3A_268 : i32 to vector<16xi32>
        %ge3A_560 = arith.cmpi sge, %add3A_556, %ge3A_559 : vector<16xi32>
        %le3A_561 = vector.broadcast %add3A_270 : i32 to vector<16xi32>
        %le3A_562 = arith.cmpi sle, %add3A_556, %le3A_561 : vector<16xi32>
        %and3A_563 = arith.andi %ge3A_560, %le3A_562 : vector<16xi1>
        %jit3A_564 = arith.constant 0xFF800000 : f32
        %broadcast_in_dim3A_565 = vector.broadcast %jit3A_564 : f32 to vector<16xf32>
        %select_n3A_566 = arith.select %and3A_563, %broadcast_in_dim3A_565, %get3A_558 : vector<16xi1>, vector<16xf32>
        %swap3A_567 = arith.index_cast %add3A_554 : i32 to index
        %swap3A_568 = tpu.vector_load %arg4[%swap3A_567] {strides = array<i32>} : memref<20480xf32, #tpu.memory_space<vmem>>, vector<16xf32>,
        tpu.vector_store %arg4[%swap3A_567], %select_n3A_566 {strides = array<i32>} : memref<20480xf32, #tpu.memory_space<vmem>>, vector<16xf32>,
        %max3A_569 = arith.maximumf %max3A_548, %select_n3A_566 : vector<16xf32>
        %add3A_570 = arith.constant 1 : i32
        %add3A_571 = arith.addi %select_n3A_292, %add3A_570 : i32
        %mul3A_572 = arith.constant 128 : i32
        %mul3A_573 = arith.muli %add3A_571, %mul3A_572 : i32
        %add3A_574 = arith.constant 80 : i32
        %add3A_575 = arith.addi %mul3A_573, %add3A_574 : i32
        %add3A_576 = vector.broadcast %add3A_575 : i32 to vector<16xi32>
        %add3A_577 = arith.addi %add3A_576, %iota3A : vector<16xi32>
        %get3A_578 = arith.index_cast %add3A_575 : i32 to index
        %get3A_579 = tpu.vector_load %arg4[%get3A_578] {strides = array<i32>} : memref<20480xf32, #tpu.memory_space<vmem>>, vector<16xf32>,
        %ge3A_580 = vector.broadcast %sub3A_268 : i32 to vector<16xi32>
        %ge3A_581 = arith.cmpi sge, %add3A_577, %ge3A_580 : vector<16xi32>
        %le3A_582 = vector.broadcast %add3A_270 : i32 to vector<16xi32>
        %le3A_583 = arith.cmpi sle, %add3A_577, %le3A_582 : vector<16xi32>
        %and3A_584 = arith.andi %ge3A_581, %le3A_583 : vector<16xi1>
        %jit3A_585 = arith.constant 0xFF800000 : f32
        %broadcast_in_dim3A_586 = vector.broadcast %jit3A_585 : f32 to vector<16xf32>
        %select_n3A_587 = arith.select %and3A_584, %broadcast_in_dim3A_586, %get3A_579 : vector<16xi1>, vector<16xf32>
        %swap3A_588 = arith.index_cast %add3A_575 : i32 to index
        %swap3A_589 = tpu.vector_load %arg4[%swap3A_588] {strides = array<i32>} : memref<20480xf32, #tpu.memory_space<vmem>>, vector<16xf32>,
        tpu.vector_store %arg4[%swap3A_588], %select_n3A_587 {strides = array<i32>} : memref<20480xf32, #tpu.memory_space<vmem>>, vector<16xf32>,
        %max3A_590 = arith.maximumf %max3A_569, %select_n3A_587 : vector<16xf32>
        %add3A_591 = arith.constant 1 : i32
        %add3A_592 = arith.addi %select_n3A_292, %add3A_591 : i32
        %mul3A_593 = arith.constant 128 : i32
        %mul3A_594 = arith.muli %add3A_592, %mul3A_593 : i32
        %add3A_595 = arith.constant 96 : i32
        %add3A_596 = arith.addi %mul3A_594, %add3A_595 : i32
        %add3A_597 = vector.broadcast %add3A_596 : i32 to vector<16xi32>
        %add3A_598 = arith.addi %add3A_597, %iota3A : vector<16xi32>
        %get3A_599 = arith.index_cast %add3A_596 : i32 to index
        %get3A_600 = tpu.vector_load %arg4[%get3A_599] {strides = array<i32>} : memref<20480xf32, #tpu.memory_space<vmem>>, vector<16xf32>,
        %ge3A_601 = vector.broadcast %sub3A_268 : i32 to vector<16xi32>
        %ge3A_602 = arith.cmpi sge, %add3A_598, %ge3A_601 : vector<16xi32>
        %le3A_603 = vector.broadcast %add3A_270 : i32 to vector<16xi32>
        %le3A_604 = arith.cmpi sle, %add3A_598, %le3A_603 : vector<16xi32>
        %and3A_605 = arith.andi %ge3A_602, %le3A_604 : vector<16xi1>
        %jit3A_606 = arith.constant 0xFF800000 : f32
        %broadcast_in_dim3A_607 = vector.broadcast %jit3A_606 : f32 to vector<16xf32>
        %select_n3A_608 = arith.select %and3A_605, %broadcast_in_dim3A_607, %get3A_600 : vector<16xi1>, vector<16xf32>
        %swap3A_609 = arith.index_cast %add3A_596 : i32 to index
        %swap3A_610 = tpu.vector_load %arg4[%swap3A_609] {strides = array<i32>} : memref<20480xf32, #tpu.memory_space<vmem>>, vector<16xf32>,
        tpu.vector_store %arg4[%swap3A_609], %select_n3A_608 {strides = array<i32>} : memref<20480xf32, #tpu.memory_space<vmem>>, vector<16xf32>,
        %max3A_611 = arith.maximumf %max3A_590, %select_n3A_608 : vector<16xf32>
        %add3A_612 = arith.constant 1 : i32
        %add3A_613 = arith.addi %select_n3A_292, %add3A_612 : i32
        %mul3A_614 = arith.constant 128 : i32
        %mul3A_615 = arith.muli %add3A_613, %mul3A_614 : i32
        %add3A_616 = arith.constant 112 : i32
        %add3A_617 = arith.addi %mul3A_615, %add3A_616 : i32
        %add3A_618 = vector.broadcast %add3A_617 : i32 to vector<16xi32>
        %add3A_619 = arith.addi %add3A_618, %iota3A : vector<16xi32>
        %get3A_620 = arith.index_cast %add3A_617 : i32 to index
        %get3A_621 = tpu.vector_load %arg4[%get3A_620] {strides = array<i32>} : memref<20480xf32, #tpu.memory_space<vmem>>, vector<16xf32>,
        %ge3A_622 = vector.broadcast %sub3A_268 : i32 to vector<16xi32>
        %ge3A_623 = arith.cmpi sge, %add3A_619, %ge3A_622 : vector<16xi32>
        %le3A_624 = vector.broadcast %add3A_270 : i32 to vector<16xi32>
        %le3A_625 = arith.cmpi sle, %add3A_619, %le3A_624 : vector<16xi32>
        %and3A_626 = arith.andi %ge3A_623, %le3A_625 : vector<16xi1>
        %jit3A_627 = arith.constant 0xFF800000 : f32
        %broadcast_in_dim3A_628 = vector.broadcast %jit3A_627 : f32 to vector<16xf32>
        %select_n3A_629 = arith.select %and3A_626, %broadcast_in_dim3A_628, %get3A_621 : vector<16xi1>, vector<16xf32>
        %swap3A_630 = arith.index_cast %add3A_617 : i32 to index
        %swap3A_631 = tpu.vector_load %arg4[%swap3A_630] {strides = array<i32>} : memref<20480xf32, #tpu.memory_space<vmem>>, vector<16xf32>,
        tpu.vector_store %arg4[%swap3A_630], %select_n3A_629 {strides = array<i32>} : memref<20480xf32, #tpu.memory_space<vmem>>, vector<16xf32>,
        %max3A_632 = arith.maximumf %max3A_611, %select_n3A_629 : vector<16xf32>
        %reduce_max3A_633 = arith.constant true
        %reduce_max3A_634 = vector.broadcast %reduce_max3A_633 : i1 to vector<16xi1>
        %reduce_max3A_635 = tpu.scan <max>, %max3A_632 masked %reduce_max3A_634 : vector<16xf32>, vector<16xi1> -> vector<16xf32>
        %reduce_max3A_636 = vector.extract %reduce_max3A_635[15] : f32 from vector<16xf32>
        %add3A_637 = arith.constant 0 : i32
        %add3A_638 = vector.broadcast %add3A_637 : i32 to vector<16xi32>
        %add3A_639 = arith.addi %add3A_638, %iota3A : vector<16xi32>
        %eq3A_640 = vector.broadcast %select_n3A_292 : i32 to vector<16xi32>
        %eq3A_641 = arith.cmpi eq, %add3A_639, %eq3A_640 : vector<16xi32>
        %broadcast_in_dim3A_642 = vector.broadcast %reduce_max3A_464 : f32 to vector<16xf32>
        %select_n3A_643 = arith.select %eq3A_641, %broadcast_in_dim3A_642, %scan3A_47 : vector<16xi1>, vector<16xf32>
        %add3A_644 = arith.constant 1 : i32
        %add3A_645 = arith.addi %select_n3A_292, %add3A_644 : i32
        %eq3A_646 = vector.broadcast %add3A_645 : i32 to vector<16xi32>
        %eq3A_647 = arith.cmpi eq, %add3A_639, %eq3A_646 : vector<16xi32>
        %broadcast_in_dim3A_648 = vector.broadcast %reduce_max3A_636 : f32 to vector<16xf32>
        %select_n3A_649 = arith.select %eq3A_647, %broadcast_in_dim3A_648, %select_n3A_643 : vector<16xi1>, vector<16xf32>
        %add3A_650 = arith.constant 16 : i32
        %add3A_651 = vector.broadcast %add3A_650 : i32 to vector<16xi32>
        %add3A_652 = arith.addi %add3A_651, %iota3A : vector<16xi32>
        %eq3A_653 = vector.broadcast %select_n3A_292 : i32 to vector<16xi32>
        %eq3A_654 = arith.cmpi eq, %add3A_652, %eq3A_653 : vector<16xi32>
        %broadcast_in_dim3A_655 = vector.broadcast %reduce_max3A_464 : f32 to vector<16xf32>
        %select_n3A_656 = arith.select %eq3A_654, %broadcast_in_dim3A_655, %scan3A_48 : vector<16xi1>, vector<16xf32>
        %add3A_657 = arith.constant 1 : i32
        %add3A_658 = arith.addi %select_n3A_292, %add3A_657 : i32
        %eq3A_659 = vector.broadcast %add3A_658 : i32 to vector<16xi32>
        %eq3A_660 = arith.cmpi eq, %add3A_652, %eq3A_659 : vector<16xi32>
        %broadcast_in_dim3A_661 = vector.broadcast %reduce_max3A_636 : f32 to vector<16xf32>
        %select_n3A_662 = arith.select %eq3A_660, %broadcast_in_dim3A_661, %select_n3A_656 : vector<16xi1>, vector<16xf32>
        %add3A_663 = arith.constant 32 : i32
        %add3A_664 = vector.broadcast %add3A_663 : i32 to vector<16xi32>
        %add3A_665 = arith.addi %add3A_664, %iota3A : vector<16xi32>
        %eq3A_666 = vector.broadcast %select_n3A_292 : i32 to vector<16xi32>
        %eq3A_667 = arith.cmpi eq, %add3A_665, %eq3A_666 : vector<16xi32>
        %broadcast_in_dim3A_668 = vector.broadcast %reduce_max3A_464 : f32 to vector<16xf32>
        %select_n3A_669 = arith.select %eq3A_667, %broadcast_in_dim3A_668, %scan3A_49 : vector<16xi1>, vector<16xf32>
        %add3A_670 = arith.constant 1 : i32
        %add3A_671 = arith.addi %select_n3A_292, %add3A_670 : i32
        %eq3A_672 = vector.broadcast %add3A_671 : i32 to vector<16xi32>
        %eq3A_673 = arith.cmpi eq, %add3A_665, %eq3A_672 : vector<16xi32>
        %broadcast_in_dim3A_674 = vector.broadcast %reduce_max3A_636 : f32 to vector<16xf32>
        %select_n3A_675 = arith.select %eq3A_673, %broadcast_in_dim3A_674, %select_n3A_669 : vector<16xi1>, vector<16xf32>
        %add3A_676 = arith.constant 48 : i32
        %add3A_677 = vector.broadcast %add3A_676 : i32 to vector<16xi32>
        %add3A_678 = arith.addi %add3A_677, %iota3A : vector<16xi32>
        %eq3A_679 = vector.broadcast %select_n3A_292 : i32 to vector<16xi32>
        %eq3A_680 = arith.cmpi eq, %add3A_678, %eq3A_679 : vector<16xi32>
        %broadcast_in_dim3A_681 = vector.broadcast %reduce_max3A_464 : f32 to vector<16xf32>
        %select_n3A_682 = arith.select %eq3A_680, %broadcast_in_dim3A_681, %scan3A_50 : vector<16xi1>, vector<16xf32>
        %add3A_683 = arith.constant 1 : i32
        %add3A_684 = arith.addi %select_n3A_292, %add3A_683 : i32
        %eq3A_685 = vector.broadcast %add3A_684 : i32 to vector<16xi32>
        %eq3A_686 = arith.cmpi eq, %add3A_678, %eq3A_685 : vector<16xi32>
        %broadcast_in_dim3A_687 = vector.broadcast %reduce_max3A_636 : f32 to vector<16xf32>
        %select_n3A_688 = arith.select %eq3A_686, %broadcast_in_dim3A_687, %select_n3A_682 : vector<16xi1>, vector<16xf32>
        %add3A_689 = arith.constant 64 : i32
        %add3A_690 = vector.broadcast %add3A_689 : i32 to vector<16xi32>
        %add3A_691 = arith.addi %add3A_690, %iota3A : vector<16xi32>
        %eq3A_692 = vector.broadcast %select_n3A_292 : i32 to vector<16xi32>
        %eq3A_693 = arith.cmpi eq, %add3A_691, %eq3A_692 : vector<16xi32>
        %broadcast_in_dim3A_694 = vector.broadcast %reduce_max3A_464 : f32 to vector<16xf32>
        %select_n3A_695 = arith.select %eq3A_693, %broadcast_in_dim3A_694, %scan3A_51 : vector<16xi1>, vector<16xf32>
        %add3A_696 = arith.constant 1 : i32
        %add3A_697 = arith.addi %select_n3A_292, %add3A_696 : i32
        %eq3A_698 = vector.broadcast %add3A_697 : i32 to vector<16xi32>
        %eq3A_699 = arith.cmpi eq, %add3A_691, %eq3A_698 : vector<16xi32>
        %broadcast_in_dim3A_700 = vector.broadcast %reduce_max3A_636 : f32 to vector<16xf32>
        %select_n3A_701 = arith.select %eq3A_699, %broadcast_in_dim3A_700, %select_n3A_695 : vector<16xi1>, vector<16xf32>
        %add3A_702 = arith.constant 80 : i32
        %add3A_703 = vector.broadcast %add3A_702 : i32 to vector<16xi32>
        %add3A_704 = arith.addi %add3A_703, %iota3A : vector<16xi32>
        %eq3A_705 = vector.broadcast %select_n3A_292 : i32 to vector<16xi32>
        %eq3A_706 = arith.cmpi eq, %add3A_704, %eq3A_705 : vector<16xi32>
        %broadcast_in_dim3A_707 = vector.broadcast %reduce_max3A_464 : f32 to vector<16xf32>
        %select_n3A_708 = arith.select %eq3A_706, %broadcast_in_dim3A_707, %scan3A_52 : vector<16xi1>, vector<16xf32>
        %add3A_709 = arith.constant 1 : i32
        %add3A_710 = arith.addi %select_n3A_292, %add3A_709 : i32
        %eq3A_711 = vector.broadcast %add3A_710 : i32 to vector<16xi32>
        %eq3A_712 = arith.cmpi eq, %add3A_704, %eq3A_711 : vector<16xi32>
        %broadcast_in_dim3A_713 = vector.broadcast %reduce_max3A_636 : f32 to vector<16xf32>
        %select_n3A_714 = arith.select %eq3A_712, %broadcast_in_dim3A_713, %select_n3A_708 : vector<16xi1>, vector<16xf32>
        %add3A_715 = arith.constant 96 : i32
        %add3A_716 = vector.broadcast %add3A_715 : i32 to vector<16xi32>
        %add3A_717 = arith.addi %add3A_716, %iota3A : vector<16xi32>
        %eq3A_718 = vector.broadcast %select_n3A_292 : i32 to vector<16xi32>
        %eq3A_719 = arith.cmpi eq, %add3A_717, %eq3A_718 : vector<16xi32>
        %broadcast_in_dim3A_720 = vector.broadcast %reduce_max3A_464 : f32 to vector<16xf32>
        %select_n3A_721 = arith.select %eq3A_719, %broadcast_in_dim3A_720, %scan3A_53 : vector<16xi1>, vector<16xf32>
        %add3A_722 = arith.constant 1 : i32
        %add3A_723 = arith.addi %select_n3A_292, %add3A_722 : i32
        %eq3A_724 = vector.broadcast %add3A_723 : i32 to vector<16xi32>
        %eq3A_725 = arith.cmpi eq, %add3A_717, %eq3A_724 : vector<16xi32>
        %broadcast_in_dim3A_726 = vector.broadcast %reduce_max3A_636 : f32 to vector<16xf32>
        %select_n3A_727 = arith.select %eq3A_725, %broadcast_in_dim3A_726, %select_n3A_721 : vector<16xi1>, vector<16xf32>
        %add3A_728 = arith.constant 112 : i32
        %add3A_729 = vector.broadcast %add3A_728 : i32 to vector<16xi32>
        %add3A_730 = arith.addi %add3A_729, %iota3A : vector<16xi32>
        %eq3A_731 = vector.broadcast %select_n3A_292 : i32 to vector<16xi32>
        %eq3A_732 = arith.cmpi eq, %add3A_730, %eq3A_731 : vector<16xi32>
        %broadcast_in_dim3A_733 = vector.broadcast %reduce_max3A_464 : f32 to vector<16xf32>
        %select_n3A_734 = arith.select %eq3A_732, %broadcast_in_dim3A_733, %scan3A_54 : vector<16xi1>, vector<16xf32>
        %add3A_735 = arith.constant 1 : i32
        %add3A_736 = arith.addi %select_n3A_292, %add3A_735 : i32
        %eq3A_737 = vector.broadcast %add3A_736 : i32 to vector<16xi32>
        %eq3A_738 = arith.cmpi eq, %add3A_730, %eq3A_737 : vector<16xi32>
        %broadcast_in_dim3A_739 = vector.broadcast %reduce_max3A_636 : f32 to vector<16xf32>
        %select_n3A_740 = arith.select %eq3A_738, %broadcast_in_dim3A_739, %select_n3A_734 : vector<16xi1>, vector<16xf32>
        %add3A_741 = arith.constant 128 : i32
        %add3A_742 = vector.broadcast %add3A_741 : i32 to vector<16xi32>
        %add3A_743 = arith.addi %add3A_742, %iota3A : vector<16xi32>
        %eq3A_744 = vector.broadcast %select_n3A_292 : i32 to vector<16xi32>
        %eq3A_745 = arith.cmpi eq, %add3A_743, %eq3A_744 : vector<16xi32>
        %broadcast_in_dim3A_746 = vector.broadcast %reduce_max3A_464 : f32 to vector<16xf32>
        %select_n3A_747 = arith.select %eq3A_745, %broadcast_in_dim3A_746, %scan3A_55 : vector<16xi1>, vector<16xf32>
        %add3A_748 = arith.constant 1 : i32
        %add3A_749 = arith.addi %select_n3A_292, %add3A_748 : i32
        %eq3A_750 = vector.broadcast %add3A_749 : i32 to vector<16xi32>
        %eq3A_751 = arith.cmpi eq, %add3A_743, %eq3A_750 : vector<16xi32>
        %broadcast_in_dim3A_752 = vector.broadcast %reduce_max3A_636 : f32 to vector<16xf32>
        %select_n3A_753 = arith.select %eq3A_751, %broadcast_in_dim3A_752, %select_n3A_747 : vector<16xi1>, vector<16xf32>
        %add3A_754 = arith.constant 144 : i32
        %add3A_755 = vector.broadcast %add3A_754 : i32 to vector<16xi32>
        %add3A_756 = arith.addi %add3A_755, %iota3A : vector<16xi32>
        %eq3A_757 = vector.broadcast %select_n3A_292 : i32 to vector<16xi32>
        %eq3A_758 = arith.cmpi eq, %add3A_756, %eq3A_757 : vector<16xi32>
        %broadcast_in_dim3A_759 = vector.broadcast %reduce_max3A_464 : f32 to vector<16xf32>
        %select_n3A_760 = arith.select %eq3A_758, %broadcast_in_dim3A_759, %scan3A_56 : vector<16xi1>, vector<16xf32>
        %add3A_761 = arith.constant 1 : i32
        %add3A_762 = arith.addi %select_n3A_292, %add3A_761 : i32
        %eq3A_763 = vector.broadcast %add3A_762 : i32 to vector<16xi32>
        %eq3A_764 = arith.cmpi eq, %add3A_756, %eq3A_763 : vector<16xi32>
        %broadcast_in_dim3A_765 = vector.broadcast %reduce_max3A_636 : f32 to vector<16xf32>
        %select_n3A_766 = arith.select %eq3A_764, %broadcast_in_dim3A_765, %select_n3A_760 : vector<16xi1>, vector<16xf32>
        scf.yield %select_n3A_267, %select_n3A_649, %select_n3A_662, %select_n3A_675, %select_n3A_688, %select_n3A_701, %select_n3A_714, %select_n3A_727, %select_n3A_740, %select_n3A_753, %select_n3A_766 : vector<16xi32>, vector<16xf32>, vector<16xf32>, vector<16xf32>, vector<16xf32>, vector<16xf32>, vector<16xf32>, vector<16xf32>, vector<16xf32>, vector<16xf32>, vector<16xf32>
      }
      %scan3A_43 = arith.constant 16 : i32
      %swap3A = arith.constant 0 : index
      %swap3A_44 = tpu.vector_load %arg7[%swap3A] {strides = array<i32>} : memref<16xi32, #tpu.memory_space<vmem>>, vector<16xi32>,
      tpu.vector_store %arg7[%swap3A], %scan3A_42#0 {strides = array<i32>} : memref<16xi32, #tpu.memory_space<vmem>>, vector<16xi32>,
      "tpu.region"() ({
        %run_scoped3A = tpu.sem_alloc : memref<!tpu.dma_semaphore, #tpu.memory_space<semaphore_mem>>
        tpu.enqueue_dma source(%arg7 : memref<16xi32, #tpu.memory_space<vmem>>) target(%arg3 : memref<16xi32, #tpu.memory_space<hbm>>) target_semaphore(%run_scoped3A : memref<!tpu.dma_semaphore, #tpu.memory_space<semaphore_mem>>)
        tpu.wait_dma2 semaphore(%run_scoped3A : memref<!tpu.dma_semaphore, #tpu.memory_space<semaphore_mem>>) src(%arg7 : memref<16xi32, #tpu.memory_space<vmem>>) dst(%arg3 : memref<16xi32, #tpu.memory_space<hbm>>)
        tpu.yield
      }) : () -> ()
    } else {
    }
    return
  }
}

</mosaic_0001>

<sc_bundles>
// kernel: kernel.3.cloned.1.call-start
scs
__scs_entry_jumppad:
0x0: {  	(pc) =	sbr.rel $0x88, $3  }
0x1: {  	(tag) =	ssettag $0x0;
	lr =	simm.s32 $0x1  }
0x2: {  	[smem:$0x3F9F] =	sst lr;
	_ =	strace $0xD0000000  }
0x3: {  	_ = 	snop  }
0x4: {  	_ = 	snop  }
0x5: {  	_ = 	snop  }
0x6: {  	_ = 	snop  }
0x7: {  	_ = 	snop  }
__scs_overlays_trampoline_lowered:
0x8: {  	[smem:$0x3FAE] =	sst s0  }
0x9: {  	[smem:$0x3FAF] =	sst s1  }
0xa: {  	[smem:$0x3FB0] =	sst s2  }
0xb: {  	[smem:$0x3FB1] =	sst s3  }
0xc: {  	[smem:$0x3FB2] =	sst s4  }
0xd: {  	[smem:$0x3FB3] =	sst s5  }
0xe: {  	[smem:$0x3FB4] =	sst s6  }
0xf: {  	[smem:$0x3FB5] =	sst s7  }
0x10: {  	[smem:$0x3FB6] =	sst s8  }
0x11: {  	[smem:$0x3FB7] =	sst s9;
	s0 =	simm.s32 @!p0 $0x0  }
0x12: {  	s1 =	sld [smem:$0x3F9D];
	s0 =	simm.s32 @p0 $0x1  }
0x13: {  	[smem:$0x3FB8] =	sst s0;
	s0 =	simm.s32 @!p1 $0x0  }
0x14: {  	s2 =	sld [smem:$0x3F9C];
	s0 =	simm.s32 @p1 $0x1  }
0x15: {  	[smem:$0x3FB9] =	sst s0;
	s0 =	simm.s32 @!p2 $0x0  }
0x16: {  	s3 =	sld [smem:$0x3FDB];
	s0 =	simm.s32 @p2 $0x1  }
0x17: {  	s4 =	simm.s32 $0x1BF5;
	[smem:$0x3FBB] =	sst s0  }
0x18: {  	s0 =	sld [smem:$0x3F9E];
	_ =	swait.ge [sflag:s4], $0x0  }
0x19: {  	s7 =	sld [smem:$0x3F9F]  }
0x1a: {  	s8 =	sadd.s32 $0xFFFFE003, lr  }
0x1b: {  	s9 =	sadd.s32 $0xFFFFFEF7, lr;
	s5 =	simm.s32 $0xFFFFFFFF;
	p2 =	slt.u32 s8, $0xFFFFF086  }
0x1c: {  	p1 =	slt.u32 s9, $0xF7A;
	s5 =	simm.s32 @!p2 $0x0  }
0x1d: {  	s5 =	simm.s32 @p1 $0x1;
	p0 =	seq.s32 s7, s2  }
0x1e: {  	s7 =	smul.u32 @!p0 $0xF7A, s2;
	p2 =	seq.s32 @!p0 s5, $0x0  }
0x1f: {  	s9 =	smul.u32 $0xF7A, s1;
	s8 =	simm.s32 @!p0 $0x1BF5;
	p2 =	por !p2, p0  }
0x20: {  	[sflag:s8] =	ssyncset.s32 @!p0 $0xFFFFF086;
	s6 =	sadd.s32 @!p0 s3, s7;
	s7 =	simm.s32 @!p0 $0x108  }
0x21: {  	s3 =	sadd.s32 s3, s9;
	s6 =	sadd.s32 @!p0 $0x88, s6;
	s7 =	simm.s32 @p2 $0x1082  }
0x22: {  	[simem:s7], [sflag:s8] =	dma.local @!p0 [hbm:s6], $0xF7A  }
0x23: {  	s9 =	sor.u32 $0xD0000000, s2;
	s6 =	simm.s32 $0x108;
	_ =	swait.ge @!p0 [sflag:s8], $0x0  }
0x24: {  	s3 =	sadd.s32 $0x88, s3;
	s6 =	simm.s32 @!p1 $0x1082;
	[sflag:s4] =	ssyncset.s32 $0xFFFFF086  }
0x25: {  	[simem:s6], [sflag:s4] =	dma.local [hbm:s3], $0xF7A  }
0x26: {  	[smem:$0x3F9F] =	sst s1;
	(tag) =	ssettag s2;
	_ =	strace s9  }
0x27: {  	s1 =	sld [smem:$0x3FAF]  }
0x28: {  	s2 =	sld [smem:$0x3FB0]  }
0x29: {  	s4 =	sld [smem:$0x3FB2]  }
0x2a: {  	p0 =	seq.s32 s5, $0x0;
	s5 =	sld [smem:$0x3FB3]  }
0x2b: {  	s6 =	sld [smem:$0x3FB4]  }
0x2c: {  	s7 =	sld [smem:$0x3FB5]  }
0x2d: {  	s3 =	simm.s32 $0x108;
	s8 =	sld [smem:$0x3FB6]  }
0x2e: {  	s3 =	simm.s32 @!p0 $0x1082;
	s9 =	sld [smem:$0x3FB7]  }
0x2f: {  	lr =	sadd.s32 s0, s3;
	s0 =	sld [smem:$0x3FAE]  }
0x30: {  	s3 =	sld [smem:$0x3FB1]  }
0x31: {  	[smem:$0x3FBA] =	sst s10  }
0x32: {  	s10 =	sld [smem:$0x3FB8];
	_ =	sdelay $0x3  }
0x33: {  	p0 =	seq.s32 s10, $0x1;
	s10 =	sld [smem:$0x3FBA];
	_ =	sdelay $0x3  }
0x34: {  	[smem:$0x3FBA] =	sst s10  }
0x35: {  	s10 =	sld [smem:$0x3FB9];
	_ =	sdelay $0x3  }
0x36: {  	p1 =	seq.s32 s10, $0x1;
	s10 =	sld [smem:$0x3FBA];
	_ =	sdelay $0x3  }
0x37: {  	[smem:$0x3FBA] =	sst s10  }
0x38: {  	s10 =	sld [smem:$0x3FBB]  }
0x39: {  	_ = 	snop;
	(pc) =	sbr.ind lr, $3  }
0x3a: {  	_ = 	snop  }
0x3b: {  	_ = 	snop  }
0x3c: {  	p2 =	seq.s32 s10, $0x1;
	s10 =	sld [smem:$0x3FBA]  }
0x3d: {  	_ =	shalt  }
0x3e: {  	_ =	shalt  }
0x3f: {  	_ =	shalt  }
0x40: {  	_ =	shalt  }
0x41: {  	_ =	shalt  }
0x42: {  	_ =	shalt  }
0x43: {  	_ =	shalt  }
0x44: {  	_ =	shalt  }
0x45: {  	_ =	shalt  }
0x46: {  	_ =	shalt  }
0x47: {  	_ =	shalt  }
0x48: {  	_ =	shalt  }
0x49: {  	_ =	shalt  }
0x4a: {  	_ =	shalt  }
0x4b: {  	_ =	shalt  }
0x4c: {  	_ =	shalt  }
0x4d: {  	_ =	shalt  }
0x4e: {  	_ =	shalt  }
0x4f: {  	_ =	shalt  }
0x50: {  	_ =	shalt  }
0x51: {  	_ =	shalt  }
0x52: {  	_ =	shalt  }
0x53: {  	_ =	shalt  }
0x54: {  	_ =	shalt  }
0x55: {  	_ =	shalt  }
0x56: {  	_ =	shalt  }
0x57: {  	_ =	shalt  }
0x58: {  	_ =	shalt  }
0x59: {  	_ =	shalt  }
0x5a: {  	_ =	shalt  }
0x5b: {  	_ =	shalt  }
0x5c: {  	_ =	shalt  }
0x5d: {  	_ =	shalt  }
0x5e: {  	_ =	shalt  }
0x5f: {  	_ =	shalt  }
0x60: {  	_ =	shalt  }
0x61: {  	_ =	shalt  }
0x62: {  	_ =	shalt  }
0x63: {  	_ =	shalt  }
0x64: {  	_ =	shalt  }
0x65: {  	_ =	shalt  }
0x66: {  	_ =	shalt  }
0x67: {  	_ =	shalt  }
0x68: {  	_ =	shalt  }
0x69: {  	_ =	shalt  }
0x6a: {  	_ =	shalt  }
0x6b: {  	_ =	shalt  }
0x6c: {  	_ =	shalt  }
0x6d: {  	_ =	shalt  }
0x6e: {  	_ =	shalt  }
0x6f: {  	_ =	shalt  }
0x70: {  	_ =	shalt  }
0x71: {  	_ =	shalt  }
0x72: {  	_ =	shalt  }
0x73: {  	_ =	shalt  }
0x74: {  	_ =	shalt  }
0x75: {  	_ =	shalt  }
0x76: {  	_ =	shalt  }
0x77: {  	_ =	shalt  }
0x78: {  	_ =	shalt  }
0x79: {  	_ =	shalt  }
0x7a: {  	_ =	shalt  }
0x7b: {  	_ =	shalt  }
0x7c: {  	_ =	shalt  }
0x7d: {  	_ =	shalt  }
0x7e: {  	_ =	shalt  }
0x7f: {  	_ =	shalt  }
0x80: {  	_ =	shalt  }
0x81: {  	_ =	shalt  }
0x82: {  	_ =	shalt  }
0x83: {  	_ =	shalt  }
0x84: {  	_ =	shalt  }
0x85: {  	_ =	shalt  }
0x86: {  	_ =	shalt  }
0x87: {  	_ =	shalt  }
.Lfunc_end0:
.L_simem_size_0:
called_computation_lowered:
.L_overlay_start_0:
0x88: {  	s0 =	sld [smem:$0x3FD9]  }
0x89: {  	s1 =	sld [smem:$0x3FFE];
	_ =	sdelay $0x3  }
0x8a: {  	s0 =	sadd.s32 s1, s0  }
0x8b: {  	[smem:$0x3FC6] =	sst s0  }
0x8c: {  	_ = 	snop  }
0x8d: {  	s0 =	sld [smem:$0x3FD0];
	(tm) =	ssettm $0x1  }
0x8e: {  	s16 =	sld [smem:$0x3FFB];
	_ =	sdelay $0x3  }
0x8f: {  	_ =	strace s16  }
0x90: {  	s1 =	sld [smem:$0x3FFC];
	_ =	sdelay $0x3  }
0x91: {  	_ =	strace s1  }
0x92: {  	s1 =	sld [smem:$0x3FFD];
	_ =	sdelay $0x3  }
0x93: {  	_ =	strace s1  }
0x94: {  	_ =	strace $0x8FFFFFFF  }
0x95: {  	s17 =	sld [smem:$0x3FDB];
	_ =	sdelay $0x1  }
0x96: {  	s2 =	simm.s32 $_scs_section_size  }
0x97: {  	s3 =	simm.s32 $_size__tile_overlayer_lowered;
	s4 =	simm.s32 $_tile_overlayer_lowered  }
0x98: {  	s20 =	simm.s32 $0x1BFF;
	s19 =	sshll.u32 s4, $0x1;
	s1 =	sadd.s32 s2, s17  }
0x99: {  	s5 =	simm.s32 $0x0;
	s18 =	sshll.u32 s3, $0x1;
	s3 =	sadd.s32 s19, s1  }
0x9a: {  	[timem:s5], [sflag:s20] =	dma.local [hbm:s3], s18  }
0x9b: {  	_ =	swait.ge [sflag:s20], s18  }
0x9c: {  	s2 =	ssub.s32 $0x0, s18;
	[sflag:s20] =	ssyncset.done $0x0  }
0x9d: {  	[sflag:s20] =	ssyncadd.s32 s2;
	_ =	sdelay $0x1  }
0x9e: {  	s21 =	simm.s32 $0x1B8B  }
0x9f: {  	_ =	swait.ge [sflag:s21], $0x1  }
0xa0: {  	[sflag:s21] =	ssyncset.done $0x0  }
0xa1: {  	s23 =	simm.s32 $0x1B8E;
	s22 =	sld [smem:$0x3FFE];
	[sflag:s21] =	ssyncadd.s32 $0xFFFFFFFF  }
0xa2: {  	s24 =	simm.s32 $execute0_lowered;
	[smem:$0x3FD2] =	sst s23  }
0xa3: {  	s3 =	sshll.u32 s24, $0x1;
	_ =	strace $0x80000046;
	[dreg:$0x1] =	wrdreg $0xFFFFFFFF  }
0xa4: {  	s25 =	simm.s32 $_size_execute0_lowered;
	s1 =	sadd.s32 s1, s3;
	[dreg:$0x0] =	wrdreg $0x0  }
0xa5: {  	s3 =	sshll.u32 s25, $0x1;
	[dreg:$0x2] =	wrdreg s1  }
0xa6: {  	[dreg:$0x3] =	wrdreg s3  }
0xa7: {  	[dreg:$0x4] =	wrdreg $0xC0  }
0xa8: {  	_ =	task [dreg:s5], $0x5FFFF  }
0xa9: {  	[dreg:$0x1] =	wrdreg $0xFFFFFFFF  }
0xaa: {  	[dreg:$0x0] =	wrdreg $0x60  }
0xab: {  	[dreg:$0x2] =	wrdreg s22  }
0xac: {  	[dreg:$0x3] =	wrdreg s0  }
0xad: {  	[dreg:$0x4] =	wrdreg $0x50C00  }
0xae: {  	[dreg:$0x5] =	wrdreg $0x9  }
0xaf: {  	_ =	task.clear_ibuf [dreg:s5], $0x6FFFF;
	_ =	strace $0x90000046  }
0xb0: {  	s26 =	simm.s32 $0x9;
	_ =	strace $0x80000048  }
0xb1: {  	_ =	swait.ge [sflag:s26], $0x1  }
0xb2: {  	[sflag:s26] =	ssyncadd.s32 $0xFFFFFFFF  }
0xb3: {  	_ =	strace $0x90000048  }
0xb4: {  	_ =	sfence  }
0xb5: {  	s28 =	sld [smem:$0x0];
	_ =	sdelay $0x1  }
0xb6: {  	s29 =	srdreg.scid  }
0xb7: {  	s30 =	sshll.u32 s29, $0xD;
	s31 =	sshrl.u32 s29, $0x2  }
0xb8: {  	s2 =	sand.u32 $0x4000, s30;
	s1 =	sand.u32 $0x1, s29;
	s0 =	sadd.s32 s31, s28  }
0xb9: {  	s1 =	sor.u32 s2, s1;
	s0 =	sshll.u32 s0, $0x11  }
0xba: {  	s0 =	sor.u32 s0, s1  }
0xbb: {  	s0 =	sadd.s32 $0x8F2B, s0  }
0xbc: {  	[sflag:s0] =	ssyncadd.remote.s32 $0x1  }
0xbd: {  	_ =	sfence.sel $0xFFFF  }
0xbe: {  	[dreg:$0x0] =	wrdreg $0xFFFFFFFF;
	(pc) =	sbr.abs _section_cstart, $3  }
0xbf: {  	[dreg:$0x1] =	wrdreg $0xFFFFFFFF  }
0xc0: {  	_ =	task.clear_ibuf [dreg:s5], $0x2FFFF;
	_ =	strace $0x9FFFFFFF  }
0xc1: {  	(tm) =	ssettm $0x7FFFFFFF  }
tec
execute0_lowered:
.L_overlay_start_1:
0x0: {  	(tag) =	ssettag $0x1  }
0x1: {  	s1 =	stileid.u32  }
0x2: {  	s5 =	sadd.s32 $0xFFFFFFFF, s1  }
0x3: {  	p0 =	sgt.u32 s5, $0x9  }
.Ltmp0:
0x4: {  	s6 =	rddreg [dreg:$0x0];
	(pc) =	sbr.rel @p0 .LBB2_5-.Ltmp0, $4  }
0x5: {  	s2 =	rddreg [dreg:$0x1]  }
0x6: {  	s4 =	rddreg [dreg:$0x2];
	s3 =	simm.s32 $0x0  }
0x7: {  	[smem:$0x7FF] =	sst s3  }
0x8: {  	s0 =	rddreg [dreg:$0x3];
	s6 =	sadd.s32 $0x400, s6;
	_ =	strace $0x80000047  }
0x9: {  	v0 =	vlaneseq.u32;
	v1 =	vmov s3;
	s2 =	simm.s32 $0x1  }
0xa: {  	s18 =	simm.s32 $0x2;
	v0 =	vmul.u32 $0x80, v0;
	v1 =	vand.u32 $0x7C, v1;
	v2 =	vmov s2  }
0xb: {  	s19 =	sshll.u32 s5, $0xB;
	v3 =	vmov s18;
	v1 =	vbroadcast v1, $0x0;
	v2 =	vand.u32 $0x7D, v2  }
0xc: {  	s7 =	sshll.u32 s5, $0x8;
	s20 =	simm.s32 $0x4;
	v3 =	vand.u32 $0x7E, v3;
	v0 =	vor.u32 s19, v0;
	v2 =	vbroadcast v2, $0x0  }
0xd: {  	s21 =	simm.s32 $0x2;
	s22 =	simm.s32 $0x5;
	s6 =	sadd.s32 s6, s7;
	v3 =	vbroadcast v3, $0x0;
	v1 =	vor.u32 v0, v1  }
0xe: {  	v4 =	vmov s20;
	[tilespmem:s19], [sflag:$0x2] =	stream.linear.gather [hbm4b:s6+s3], $0x800, $0x38;
	v2 =	vor.u32 v0, v2;
	[tilespmem:$0x50D0] =	vst v63  }
0xf: {  	s23 =	simm.s32 $0x6;
	v5 =	vmov s22;
	v4 =	vand.u32 $0x7C, v4;
	_ =	swait.ge [sflag:s21], $0x800;
	v3 =	vor.u32 v0, v3  }
0x10: {  	s24 =	simm.s32 $0x3;
	v6 =	vmov s23;
	v5 =	vand.u32 $0x7D, v5;
	v4 =	vbroadcast v4, $0x0;
	[sflag:s21] =	ssyncset.done $0x0  }
0x11: {  	v6 =	vand.u32 $0x7E, v6;
	v5 =	vbroadcast v5, $0x0;
	v7 =	vor.u32 s24, v0;
	[sflag:s21] =	ssyncadd.s32 $0xFFFFF800  }
0x12: {  	v4 =	vor.u32 v0, v4;
	v8 =	vld.idx.msk [tilespmem:v1+s3+$0x0], $0xffff;
	v1 =	vbroadcast v6, $0x0  }
0x13: {  	s25 =	simm.s32 $0x8;
	v9 =	vor.u32 v0, v5;
	v6 =	vld.idx.msk [tilespmem:v2+s3+$0x0], $0xffff  }
0x14: {  	s26 =	simm.s32 $0x9;
	v10 =	vld.idx.msk [tilespmem:v3+s3+$0x0], $0xffff;
	v2 =	vmov s25;
	v11 =	vor.u32 v0, v1  }
0x15: {  	s28 =	simm.s32 $0x7;
	v12 =	vmov s26;
	v5 =	vimm.f32 $-Inf;
	v2 =	vand.u32 $0x7C, v2  }
0x16: {  	s29 =	simm.s32 $0xA;
	v3 =	vor.u32 s28, v0;
	v1 =	vld.idx.msk [tilespmem:v7+s3+$0x0], $0xffff;
	v7 =	vbroadcast v2, $0x0;
	v2 =	vand.u32 $0x7D, v12  }
0x17: {  	s30 =	sshll.u32 s5, $0x4;
	v63 =	vmov s29;
	v13 =	vbroadcast v2, $0x0;
	v2 =	vld.idx.msk [tilespmem:v4+s3+$0x0], $0xffff;
	v8 =	vmax.f32 v5, v8  }
0x18: {  	s31 =	sand.u32 $0x3FFFFFF0, s30;
	v12 =	vand.u32 $0x7E, v63;
	v4 =	vld.idx.msk [tilespmem:v9+s3+$0x0], $0xffff;
	v5 =	vor.u32 v0, v7;
	v9 =	vmax.f32 v8, v6  }
0x19: {  	s5 =	simm.s32 $0xB;
	s2 =	sadd.s32 s31, s4;
	s4 =	simm.s32 $0xC;
	v8 =	vbroadcast v12, $0x0;
	v7 =	vor.u32 v0, v13;
	v6 =	vld.idx.msk [tilespmem:v11+s3+$0x0], $0xffff;
	v9 =	vmax.f32 v9, v10  }
.LBB2_2:
0x1a: {  	s6 =	sadd.s32 $0x1, s4  }
0x1b: {  	v10 =	vmov s4;
	p0 =	sne.s32 s4, $0x7C;
	v11 =	vor.u32 v0, v8;
	v8 =	vmax.f32 v9, v1;
	v1 =	vld.idx.msk [tilespmem:v3+s3+$0x0], $0xffff;
	s7 =	smov.u32 s4;
	s4 =	sadd.s32 $0x4, s4  }
.Ltmp1:
0x1c: {  	v3 =	vor.u32 s5, v0;
	v9 =	vand.u32 $0x7C, v10;
	v10 =	vmov s6;
	s6 =	sadd.s32 $0x2, s7;
	(pc) =	sbr.rel @p0 .LBB2_2-.Ltmp1, $4  }
0x1d: {  	v9 =	vbroadcast v9, $0x0;
	v10 =	vand.u32 $0x7D, v10;
	v12 =	vmov s6  }
0x1e: {  	v13 =	vmax.f32 v8, v2;
	v10 =	vbroadcast v10, $0x0;
	v12 =	vand.u32 $0x7E, v12;
	v2 =	vld.idx.msk [tilespmem:v5+s3+$0x0], $0xffff  }
0x1f: {  	v5 =	vor.u32 v0, v9;
	v8 =	vbroadcast v12, $0x0;
	v9 =	vmax.f32 v13, v4;
	v4 =	vld.idx.msk [tilespmem:v7+s3+$0x0], $0xffff  }
0x20: {  	s5 =	sadd.s32 $0x3, s7;
	v7 =	vor.u32 v0, v10;
	v9 =	vmax.f32 v9, v6;
	v6 =	vld.idx.msk [tilespmem:v11+s3+$0x0], $0xffff  }
0x21: {  	_ =	sdelay $0x1  }
0x22: {  	v8 =	vor.u32 v0, v8  }
0x23: {  	v61 =	vor.u32 s5, v0  }
0x24: {  	v3 =	vld.idx.msk [tilespmem:v3+s3+$0x0], $0xffff  }
0x25: {  	v1 =	vmax.f32 v9, v1;
	v5 =	vld.idx.msk [tilespmem:v5+s3+$0x0], $0xffff  }
0x26: {  	v62 =	vld.idx.msk [tilespmem:v7+s3+$0x0], $0xffff;
	v1 =	vmax.f32 v1, v2  }
0x27: {  	v1 =	vmax.f32 v1, v4;
	v63 =	vld.idx.msk [tilespmem:v8+s3+$0x0], $0xffff  }
0x28: {  	v1 =	vmax.f32 v1, v6;
	v0 =	vld.idx.msk [tilespmem:v61+s3+$0x0], $0xffff  }
0x29: {  	v1 =	vmax.f32 v1, v3  }
0x2a: {  	v1 =	vmax.f32 v1, v5  }
0x2b: {  	v1 =	vmax.f32 v1, v62  }
0x2c: {  	v1 =	vmax.f32 v1, v63  }
0x2d: {  	v0 =	vmax.f32 v1, v0  }
.Ltmp2:
0x2e: {  	s30 =	simm.s32 $0x5000;
	s31 =	simm.s32 $0x2;
	[tilespmem:$0x5000] =	vst v0;
	(pc) =	sbr.rel .LBB2_4-.Ltmp2, $4  }
0x2f: {  	[spmem:s2] =	stream.linear.scatter [tilespmem:s30], [sflag:$0x2], $0x10, $0x38;
	[tilespmem:$0x50D0] =	vst v63  }
0x30: {  	_ =	swait.ge [sflag:s31], $0x10  }
0x31: {  	[sflag:s31] =	ssyncset.done $0x0  }
0x32: {  	[sflag:s31] =	ssyncadd.s32 $0xFFFFFFF0  }
.LBB2_5:
0x33: {  	p0 =	sne.s32 s1, $0x0  }
.Ltmp3:
0x34: {  	_ = 	snop;
	(pc) =	sbr.rel @!p0 .LBB2_6-.Ltmp3, $1  }
0x35: {  	_ =	sdelay $0x3  }
.LBB2_4:
0x36: {  	[bflag:$0x0] =	sbarrier.arrive $0xFFFF  }
.LBB2_9:
0x37: {  	_ =	sfence.sel $0x180000  }
0x38: {  	[bflag:$0x0] =	sbarrier.arrive $0xFFFF  }
0x39: {  	p0 =	sne.s32 s1, $0x0;
	_ =	strace $0x90000047  }
0x3a: {  	s0 =	sadd.s32 @!p0 $0x100000, s0;
	[bflag:$0x2] =	sbarrier.arrive $0xFFFF  }
0x3b: {  	[sflag:s0] =	ssyncadd.tile.s32 @!p0 $0x1;
	_ =	shalt  }
.LBB2_6:
0x3c: {  	s3 =	simm.s32 $0x0  }
0x3d: {  	[tilespmem:s3], [sflag:$0x1] =	stream.linear.gather [hbm4b:s6+s3], $0x5000, $0x38;
	[tilespmem:$0x50D0] =	vst v63  }
0x3e: {  	s5 =	simm.s32 $0x5010;
	s30 =	simm.s32 $0x2;
	[bflag:$0x0] =	sbarrier.arrive $0xFFFF  }
0x3f: {  	[tilespmem:s5], [sflag:$0x2] =	stream.linear.gather [spmem:s4], $0xA0, $0x38;
	[tilespmem:$0x50D0] =	vst v63  }
0x40: {  	_ =	swait.ge [sflag:s30], $0xA0  }
0x41: {  	[sflag:s30] =	ssyncset.done $0x0  }
0x42: {  	[sflag:s30] =	ssyncadd.s32 $0xFFFFFF60  }
0x43: {  	v17 =	vld [tilespmem:$0x5010]  }
0x44: {  	v3 =	vld [tilespmem:$0x5020]  }
0x45: {  	v4 =	vld [tilespmem:$0x5030]  }
0x46: {  	v0 =	vlaneseq.u32;
	v1 =	vld [tilespmem:$0x5040]  }
0x47: {  	v5 =	vor.u32 $0x80000090, v0;
	v8 =	vld [tilespmem:$0x5050]  }
0x48: {  	v7 =	vor.u32 $0x80000080, v0;
	v9 =	vor.u32 $0x80000070, v0;
	v10 =	vld [tilespmem:$0x5060]  }
0x49: {  	v11 =	vor.u32 $0x80000060, v0;
	v12 =	vor.u32 $0x80000050, v0;
	v6 =	vld [tilespmem:$0x5070]  }
0x4a: {  	v2 =	vimm.s32 $0x0;
	v13 =	vor.u32 $0x80000040, v0;
	v15 =	vor.u32 $0x80000030, v0;
	v14 =	vld [tilespmem:$0x5080]  }
0x4b: {  	s31 =	simm.s32 $0x1;
	v18 =	vor.u32 $0x80000020, v0;
	v19 =	vor.u32 $0x80000010, v0;
	v20 =	vor.u32 $0x80000000, v0;
	v16 =	vld [tilespmem:$0x5090]  }
0x4c: {  	v21 =	vor.u32 $0x10, v0;
	v23 =	vor.u32 $0x20, v0;
	v24 =	vor.u32 $0x30, v0;
	v22 =	vld [tilespmem:$0x50A0];
	_ =	swait.ge [sflag:s31], $0x5000  }
0x4d: {  	v25 =	vor.u32 $0x40, v0;
	v26 =	vor.u32 $0x50, v0;
	v27 =	vor.u32 $0x60, v0;
	[sflag:s31] =	ssyncset.done $0x0  }
0x4e: {  	v28 =	vor.u32 $0x70, v0;
	v29 =	vor.u32 $0x80, v0;
	v30 =	vor.u32 $0x90, v0;
	[sflag:s31] =	ssyncadd.s32 $0xFFFFB000  }
.LBB2_7:
0x4f: {  	v31 =	vmax.f32 v17, v3  }
0x50: {  	v31 =	vmax.f32 v31, v4  }
0x51: {  	v31 =	vmax.f32 v31, v1  }
0x52: {  	v31 =	vmax.f32 v31, v8  }
0x53: {  	v31 =	vmax.f32 v31, v10  }
0x54: {  	v31 =	vmax.f32 v31, v6  }
0x55: {  	v31 =	vmax.f32 v31, v14  }
0x56: {  	v31 =	vmax.f32 v31, v16  }
0x57: {  	v31 =	vmax.f32 v31, v22  }
0x58: {  	(xrf0) =	vmax.scan.msk.f32 $0xffff, v31;
	_ =	sdelay $0x5  }
0x59: {  	v31, _, _ =	vpop (xrf0)  }
0x5a: {  	v31 =	vbroadcast v31, $0xF;
	_ =	sdelay $0x1  }
0x5b: {  	vm0 =	veq.f32 v22, v31  }
0x5c: {  	vm1 =	veq.f32 v16, v31;
	v32 =	vnsel vm0, $0xC0000000, v5  }
0x5d: {  	vm12 =	veq.f32 v14, v31;
	v32 =	vsel vm1, v7, v32  }
0x5e: {  	vm13 =	veq.f32 v6, v31;
	v32 =	vsel vm12, v9, v32  }
0x5f: {  	vm14 =	veq.f32 v10, v31;
	v32 =	vsel vm13, v11, v32  }
0x60: {  	vm15 =	veq.f32 v8, v31;
	v32 =	vsel vm14, v12, v32  }
0x61: {  	vm4 =	veq.f32 v1, v31;
	v32 =	vsel vm15, v13, v32  }
0x62: {  	vm5 =	veq.f32 v4, v31;
	v32 =	vsel vm4, v15, v32  }
0x63: {  	vm6 =	veq.f32 v3, v31;
	v32 =	vsel vm5, v18, v32  }
0x64: {  	vm7 =	veq.f32 v17, v31;
	v32 =	vsel vm6, v19, v32  }
0x65: {  	v32 =	vsel vm7, v20, v32  }
0x66: {  	(xrf0) =	vmin.scan.msk.u32 $0xffff, v32;
	_ =	sdelay $0x5  }
0x67: {  	v32, _, _ =	vpop (xrf0)  }
0x68: {  	(v2sf) =	vpush v32, $0xF;
	_ =	sdelay $0xe  }
0x69: {  	s4 =	spop (v2sf)  }
0x6a: {  	s4 =	sshll.u32 s4, $0x7  }
0x6b: {  	v58 =	vld [tilespmem:s4+$0x0];
	_ =	sdelay $0x1  }
0x6c: {  	v33 =	vld [tilespmem:s4+$0x10]  }
0x6d: {  	v34 =	vor.u32 s4, v0;
	v35 =	vld [tilespmem:s4+$0x20]  }
0x6e: {  	vm8 =	vlt.s32 v34, $0x40000000  }
0x6f: {  	s5 =	sor.u32 $0x10, s4;
	v60 =	vld [tilespmem:s4+$0x30];
	v59 =	vnsel vm8, $0x40000000, v34;
	vm9 =	veq.f32 v58, v31  }
0x70: {  	s12 =	sor.u32 $0x20, s4;
	v36 =	vor.u32 s5, v0;
	v32 =	vnsel vm9, $0x40000000, v59  }
0x71: {  	v61 =	vld [tilespmem:s4+$0x40];
	v62 =	vor.u32 s12, v0;
	vm1 =	vlt.s32 v32, v36  }
0x72: {  	vm10 =	veq.f32 v33, v31;
	vm11 =	veq.f32 v35, v31;
	v36 =	vsel vm1, v32, v36  }
0x73: {  	s13 =	sor.u32 $0x30, s4;
	v63 =	vld [tilespmem:s4+$0x50];
	v35 =	vnsel vm11, $0x40000000, v62;
	v32 =	vsel vm10, v36, v32  }
0x74: {  	v39 =	vor.u32 s13, v0;
	vm12 =	veq.f32 v60, v31;
	vm0 =	vlt.s32 v32, v35  }
0x75: {  	s14 =	sor.u32 $0x40, s4;
	v40 =	vld [tilespmem:s4+$0x60];
	v34 =	vnsel vm12, $0x40000000, v39;
	v32 =	vsel vm0, v32, v35  }
0x76: {  	v41 =	vor.u32 s14, v0;
	vm13 =	veq.f32 v61, v31;
	vm0 =	vlt.s32 v32, v34  }
0x77: {  	s15 =	sor.u32 $0x50, s4;
	v42 =	vld [tilespmem:s4+$0x70];
	v33 =	vnsel vm13, $0x40000000, v41;
	v32 =	vsel vm0, v32, v34  }
0x78: {  	v43 =	vor.u32 s15, v0;
	vm14 =	veq.f32 v63, v31;
	vm0 =	vlt.s32 v32, v33  }
0x79: {  	s16 =	sor.u32 $0x60, s4;
	v44 =	vnsel vm14, $0x40000000, v43;
	v32 =	vsel vm0, v32, v33  }
0x7a: {  	v45 =	vor.u32 s16, v0;
	vm15 =	veq.f32 v40, v31;
	vm0 =	vlt.s32 v32, v44  }
0x7b: {  	s4 =	sor.u32 $0x70, s4;
	v46 =	vnsel vm15, $0x40000000, v45;
	v32 =	vsel vm0, v32, v44  }
0x7c: {  	vm4 =	veq.f32 v42, v31;
	v31 =	vor.u32 s4, v0;
	vm0 =	vlt.s32 v32, v46  }
0x7d: {  	v31 =	vnsel vm4, $0x40000000, v31;
	v32 =	vsel vm0, v32, v46  }
0x7e: {  	vm0 =	vlt.s32 v32, v31  }
0x7f: {  	v31 =	vsel vm0, v32, v31  }
0x80: {  	v31 =	vxor.u32 $0x80000000, v31  }
0x81: {  	(xrf0) =	vmin.scan.msk.u32 $0xffff, v31;
	_ =	sdelay $0x5  }
0x82: {  	v31, _, _ =	vpop (xrf0)  }
0x83: {  	(v2sf) =	vpush v31, $0xF;
	_ =	sdelay $0xe  }
0x84: {  	s17 =	spop (v2sf)  }
0x85: {  	s9 =	sadd.s32 $0x7FFFFFC0, s17  }
0x86: {  	p0 =	sgt.s32 s9, $0x0;
	s4 =	smov.u32 s9  }
0x87: {  	s4 =	simm.s32 @!p0 $0x0  }
0x88: {  	s6 =	sand.u32 $0x7F, s4  }
0x89: {  	p6 =	slt.s32 s9, $0x1;
	p1 =	sne.s32 s6, $0x0  }
0x8a: {  	p0 =	por !p6, !p1  }
0x8b: {  	s6 =	simm.s32 $0x1;
	p0 =	por !p0, !p0  }
0x8c: {  	s4 =	sshrl.u32 s4, $0x7;
	s6 =	simm.s32 @!p0 $0x0  }
0x8d: {  	s7 =	ssub.s32 s4, s6  }
0x8e: {  	s4 =	sshll.u32 s7, $0x7  }
0x8f: {  	s8 =	sadd.s32 $0x80000040, s17;
	s10 =	sadd.s32 $0x1, s7;
	v48 =	vor.u32 s4, v0  }
0x90: {  	s18 =	sor.u32 $0x10, s4;
	s19 =	sor.u32 $0x20, s4;
	s20 =	sor.u32 $0x30, s4;
	vm5 =	vge.s32 v48, s9;
	vm6 =	vle.s32 v48, s8  }
0x91: {  	s21 =	sor.u32 $0x40, s4;
	s22 =	sor.u32 $0x50, s4;
	s23 =	sor.u32 $0x60, s4;
	v49 =	vor.u32 s18, v0;
	v51 =	vor.u32 s19, v0;
	v54 =	vor.u32 s20, v0  }
0x92: {  	s24 =	sor.u32 $0x70, s4;
	s25 =	sshll.u32 s10, $0x7;
	v38 =	vor.u32 s21, v0;
	v39 =	vor.u32 s22, v0;
	v40 =	vor.u32 s23, v0  }
0x93: {  	v58 =	vor.u32 s24, v0;
	v60 =	vor.u32 s25, v0;
	vm0 =	vmand vm5, vm6  }
0x94: {  	vm7 =	vge.s32 v49, s9;
	vm2 =	vle.s32 v49, s8;
	vm9 =	vge.s32 v51, s9  }
0x95: {  	v31 =	vld [tilespmem:s4+$0x0];
	vm10 =	vle.s32 v51, s8;
	vm11 =	vge.s32 v54, s9;
	vm12 =	vle.s32 v54, s8  }
0x96: {  	v47 =	vld [tilespmem:s4+$0x10];
	s11 =	sor.u32 $0x10, s25;
	s26 =	sor.u32 $0x20, s25;
	vm13 =	vge.s32 v38, s9;
	vm14 =	vle.s32 v38, s8;
	vm15 =	vge.s32 v39, s9  }
0x97: {  	v55 =	vld [tilespmem:s4+$0x50];
	s12 =	sor.u32 $0x30, s25;
	s28 =	sor.u32 $0x40, s25;
	s29 =	sor.u32 $0x50, s25;
	vm3 =	vle.s32 v39, s8;
	v59 =	vor.u32 s11, v0;
	v41 =	vor.u32 s26, v0  }
0x98: {  	v50 =	vld [tilespmem:s4+$0x20];
	s30 =	sor.u32 $0x60, s25;
	v42 =	vor.u32 s12, v0;
	v43 =	vor.u32 s28, v0;
	v44 =	vor.u32 s29, v0  }
0x99: {  	v52 =	vld [tilespmem:s4+$0x30];
	v46 =	vor.u32 s30, v0;
	vm8 =	vmand vm7, vm2;
	vm6 =	vmand vm15, vm3  }
0x9a: {  	v37 =	vld [tilespmem:s4+$0x40];
	vm7 =	vge.s32 v40, s9;
	vm4 =	vge.s32 v42, s9;
	vm5 =	vge.s32 v43, s9  }
0x9b: {  	v57 =	vld [tilespmem:s4+$0x70];
	vm15 =	vle.s32 v59, s8;
	v31 =	vsel vm0, $0xFF800000, v31;
	v32 =	vsel vm8, $0xFF800000, v47  }
0x9c: {  	v56 =	vld [tilespmem:s4+$0x60];
	s31 =	sor.u32 $0x70, s25;
	vm0 =	vmand vm9, vm10;
	v36 =	vsel vm6, $0xFF800000, v55;
	vm8 =	vle.s32 v40, s8  }
0x9d: {  	vm9 =	vge.s32 v58, s9;
	vm10 =	vle.s32 v58, s8;
	v47 =	vor.u32 s31, v0  }
0x9e: {  	vm6 =	vge.s32 v44, s9;
	v34 =	vsel vm0, $0xFF800000, v50;
	vm0 =	vmand vm11, vm12  }
0x9f: {  	vm11 =	vmand vm9, vm10;
	v35 =	vsel vm0, $0xFF800000, v52;
	vm0 =	vmand vm13, vm14  }
0xa0: {  	[tilespmem:s4+$0x50] =	vst v36;
	v39 =	vsel vm11, $0xFF800000, v57;
	v37 =	vsel vm0, $0xFF800000, v37;
	vm0 =	vmand vm7, vm8  }
0xa1: {  	v53 =	vmax.f32 v31, v32;
	vm12 =	vge.s32 v60, s9;
	[tilespmem:s4+$0x70] =	vst v39;
	v38 =	vsel vm0, $0xFF800000, v56  }
0xa2: {  	vm9 =	vle.s32 v41, s8;
	vm10 =	vle.s32 v47, s8;
	v33 =	vmax.f32 v53, v34;
	v48 =	vld [tilespmem:s25+$0x20];
	[tilespmem:s4+$0x60] =	vst v38  }
0xa3: {  	vm13 =	vge.s32 v59, s9;
	vm14 =	vge.s32 v41, s9;
	v33 =	vmax.f32 v33, v35;
	v45 =	vld [tilespmem:s25+$0x0]  }
0xa4: {  	vm7 =	vge.s32 v46, s9;
	vm8 =	vle.s32 v60, s8;
	v60 =	vmov s3;
	v61 =	vld [tilespmem:s25+$0x10]  }
0xa5: {  	v33 =	vmax.f32 v33, v37;
	vm0 =	vge.s32 v47, s9;
	vm1 =	vmand vm12, vm8  }
0xa6: {  	v62 =	vld [tilespmem:s25+$0x30];
	vm12 =	vmand vm13, vm15;
	vm13 =	vmand vm14, vm9;
	v33 =	vmax.f32 v33, v36  }
0xa7: {  	v63 =	vld [tilespmem:s25+$0x40];
	vm14 =	vle.s32 v42, s8;
	vm15 =	vle.s32 v43, s8;
	v33 =	vmax.f32 v33, v38  }
0xa8: {  	v53 =	vld [tilespmem:s25+$0x50];
	vm8 =	vle.s32 v46, s8;
	vm11 =	veq.s32 v60, v0;
	v33 =	vmax.f32 v33, v39  }
0xa9: {  	v54 =	vld [tilespmem:s25+$0x60];
	v52 =	vsel vm13, $0xFF800000, v48;
	v40 =	vsel vm1, $0xFF800000, v45;
	v38 =	vsel vm12, $0xFF800000, v61  }
0xaa: {  	v55 =	vld [tilespmem:s25+$0x70];
	vm1 =	vmand vm4, vm14;
	vm4 =	vmand vm5, vm15;
	v45 =	vmax.f32 v40, v38  }
0xab: {  	vm5 =	vle.s32 v44, s8;
	v36 =	vsel vm1, $0xFF800000, v62;
	v45 =	vmax.f32 v45, v52  }
0xac: {  	(xrf0) =	vmax.scan.msk.f32 $0xffff, v33;
	v39 =	vsel vm4, $0xFF800000, v63;
	vm6 =	vmand vm6, vm5;
	v56 =	vmax.f32 v45, v36  }
0xad: {  	vm9 =	vmand vm7, vm8;
	v42 =	vsel vm6, $0xFF800000, v53;
	v44 =	vmax.f32 v56, v39  }
0xae: {  	vm0 =	vmand vm0, vm10;
	v43 =	vsel vm9, $0xFF800000, v54;
	v57 =	vmax.f32 v44, v42  }
0xaf: {  	s5 =	sxor.u32 $0x80000000, s17;
	v58 =	vsel vm0, $0xFF800000, v55;
	v61 =	vmov s7;
	v33 =	vmax.f32 v57, v43  }
0xb0: {  	v2 =	vsel vm11, s5, v2;
	vm12 =	veq.s32 v61, v0;
	v33 =	vmax.f32 v33, v58  }
0xb1: {  	v63 =	vmov s10;
	vm13 =	veq.s32 v61, v21;
	vm14 =	veq.s32 v61, v23;
	(xrf0) =	vmax.scan.msk.f32 $0xffff, v33  }
0xb2: {  	[tilespmem:s4+$0x0] =	vst v31;
	vm15 =	veq.s32 v61, v24;
	vm4 =	veq.s32 v61, v25;
	vm5 =	veq.s32 v61, v26;
	v59, _, _ =	vpop (xrf0)  }
0xb3: {  	[tilespmem:s4+$0x10] =	vst v32;
	vm7 =	veq.s32 v61, v28;
	vm8 =	veq.s32 v61, v29;
	v33 =	vbroadcast v59, $0xF  }
0xb4: {  	[tilespmem:s4+$0x20] =	vst v34;
	vm9 =	veq.s32 v61, v30;
	vm0 =	veq.s32 v63, v0;
	vm10 =	veq.s32 v63, v25  }
0xb5: {  	[tilespmem:s4+$0x30] =	vst v35;
	vm11 =	veq.s32 v63, v26;
	v17 =	vsel vm12, v33, v17;
	vm12 =	veq.s32 v61, v27  }
0xb6: {  	[tilespmem:s4+$0x40] =	vst v37;
	v3 =	vsel vm13, v33, v3;
	v4 =	vsel vm14, v33, v4;
	vm13 =	veq.s32 v63, v21  }
0xb7: {  	[tilespmem:s25+$0x60] =	vst v43;
	vm14 =	veq.s32 v63, v23;
	v1 =	vsel vm15, v33, v1;
	vm15 =	veq.s32 v63, v24;
	v62, _, _ =	vpop (xrf0)  }
0xb8: {  	[tilespmem:s25+$0x70] =	vst v58;
	v8 =	vsel vm4, v33, v8;
	v10 =	vsel vm5, v33, v10;
	v31 =	vbroadcast v62, $0xF  }
0xb9: {  	p0 =	sne.s32 s3, $0xF;
	[tilespmem:s25+$0x20] =	vst v52;
	v14 =	vsel vm7, v33, v14;
	v16 =	vsel vm8, v33, v16;
	v22 =	vsel vm9, v33, v22  }
.Ltmp4:
0xba: {  	[tilespmem:s25+$0x0] =	vst v40;
	v6 =	vsel vm12, v33, v6;
	vm12 =	veq.s32 v63, v27;
	v17 =	vsel vm0, v31, v17;
	(pc) =	sbr.rel @p0 .LBB2_7-.Ltmp4, $4  }
0xbb: {  	[tilespmem:s25+$0x10] =	vst v38;
	v3 =	vsel vm13, v31, v3;
	v4 =	vsel vm14, v31, v4;
	v1 =	vsel vm15, v31, v1  }
0xbc: {  	[tilespmem:s25+$0x30] =	vst v36;
	v8 =	vsel vm10, v31, v8;
	v10 =	vsel vm11, v31, v10;
	v6 =	vsel vm12, v31, v6  }
0xbd: {  	[tilespmem:s25+$0x40] =	vst v39;
	vm13 =	veq.s32 v63, v28;
	vm14 =	veq.s32 v63, v29;
	vm15 =	veq.s32 v63, v30  }
0xbe: {  	s3 =	sadd.s32 $0x1, s3;
	[tilespmem:s25+$0x50] =	vst v42;
	v14 =	vsel vm13, v31, v14;
	v16 =	vsel vm14, v31, v16;
	v22 =	vsel vm15, v31, v22  }
0xbf: {  	s3 =	simm.s32 $0x0  }
.Ltmp5:
0xc0: {  	[tilespmem:$0x50B0] =	vst v2;
	s4 =	simm.s32 $0x50B0;
	s31 =	simm.s32 $0x2;
	(pc) =	sbr.rel .LBB2_9-.Ltmp5, $4  }
0xc1: {  	[hbm4b:s2+s3] =	stream.linear.scatter [tilespmem:s4], [sflag:$0x2], $0x10, $0x38;
	[tilespmem:$0x50D0] =	vst v63  }
0xc2: {  	_ =	swait.ge [sflag:s31], $0x10  }
0xc3: {  	[sflag:s31] =	ssyncset.done $0x0  }
0xc4: {  	[sflag:s31] =	ssyncadd.s32 $0xFFFFFFF0  }
.Lfunc_end2:
_tile_overlayer_lowered:
.L_overlay_start_2:
0xc5: {  	(tag) =	ssettag $0x2  }
0xc6: {  	s0 =	rddreg [dreg:$0x0];
	s2 =	stileid.u32  }
0xc7: {  	s1 =	rddreg [dreg:$0x1];
	p0 =	sne.s32 s2, $0x0  }
0xc8: {  	s3 =	rddreg [dreg:$0x2];
	[bflag:$0x3] =	sbarrier.arrive $0xFFFF;
	s2 =	simm.s32 @!p0 $0x1C02  }
0xc9: {  	[timem:s3], [sflag:s2] =	dma.local @!p0 [hbm:s0], s1  }
0xca: {  	s0 =	simm.s32 @!p0 $0x2  }
0xcb: {  	_ =	swait.ge @!p0 [sflag:s0], s1  }
0xcc: {  	s1 =	ssub.s32 @!p0 $0x0, s1;
	[sflag:s0] =	ssyncset.done @!p0 $0x0  }
0xcd: {  	[sflag:s0] =	ssyncadd.s32 @!p0 s1  }
0xce: {  	[bflag:$0x3] =	sbarrier.arrive $0xFFFF  }
0xcf: {  	_ =	shalt  }

</sc_bundles>
